<compile_context>
chip_gen: v7x
topology: tpu7x:2x2x1
jax: 0.10.2.dev20260603
libtpu: 0.0.44.dev20260713+nightly
codegen_flags: <defaults>
</compile_context>

<pallas_src>
import functools

import jax
import jax.numpy as jnp
from jax import lax
from jax.experimental import pallas as pl
from jax.experimental.pallas import tpu as pltpu
from jax.experimental.pallas import tpu_sc as plsc

NUM_SP = 1000
B, H, W, C = 4, 384, 384, 96
CP = 128
NPIX = B * H * W
NSEG = B * NUM_SP
NC, NS = 2, 16
SPLIT = 2
B_CALL = B // SPLIT
PIX_CALL = NPIX // SPLIT
PIX_CORE = PIX_CALL // NC
PIX_TILE = PIX_CORE // NS
CH = 128
NCHUNK = PIX_TILE // CH
SUP = 256
NSUPER = PIX_TILE // SUP
SCAT = SUP // CH
SEGP = 1024
SEG_CHUNK = SEGP // NS
HBLK = 32


def _transpose_body(in_ref, out_ref):
  x = in_ref[0]
  xt = jnp.swapaxes(x, 1, 2).reshape(HBLK * W, C)
  out_ref[:, pl.ds(0, C)] = xt


def _tc_transpose_pad(fm_t, half):
  return pl.pallas_call(
      _transpose_body,
      grid=(B_CALL, H // HBLK),
      in_specs=[pl.BlockSpec((1, HBLK, C, W),
                             lambda b, h: (b + half * B_CALL, h, 0, 0))],
      out_specs=pl.BlockSpec((HBLK * W, CP),
                             lambda b, h: (b * (H // HBLK) + h, 0)),
      out_shape=jax.ShapeDtypeStruct((PIX_CALL, CP), jnp.float32),
      name=f"transpose_pad_h{half}",
  )(fm_t)


def _sc_segment_mean(featp, sp2d, z2, z1, ones, half):
  mesh = plsc.VectorSubcoreMesh(core_axis_name="c", subcore_axis_name="s")

  @functools.partial(
      pl.kernel,
      mesh=mesh,
      out_type=jax.ShapeDtypeStruct((NC * SEGP, C), jnp.float32),
      scratch_types=[
          pltpu.VMEM((NCHUNK, CH), jnp.int32),
          pltpu.VMEM((2, SUP, C), jnp.float32),
          pltpu.VMEM((CH,), jnp.float32),
          pltpu.VMEM((SEG_CHUNK + 16,), jnp.float32),
          pltpu.VMEM_SHARED((SEGP, C), jnp.float32),
          pltpu.VMEM_SHARED((SEGP,), jnp.float32),
          pltpu.SemaphoreType.DMA,
          pltpu.SemaphoreType.DMA,
          pltpu.SemaphoreType.DMA,
          pltpu.SemaphoreType.DMA,
      ],
      compiler_params=pltpu.CompilerParams(use_tc_tiling_on_sc=False),
      name=f"segment_mean_h{half}",
  )
  def k(feat_hbm, sp_hbm, z2_hbm, z1_hbm, ones_hbm, means_out,
        idx_v, feat_v, ones_v, cnt_v, sums_sh, cnts_sh,
        lsem0, lsem1, ssem0, ssem1):
    c = lax.axis_index("c")
    s = lax.axis_index("s")
    pix0 = pl.multiple_of(c * PIX_CORE + s * PIX_TILE, PIX_TILE)
    row0 = pl.multiple_of((half * PIX_CALL + pix0) // CH, NCHUNK)
    seg0 = pl.multiple_of(s * SEG_CHUNK, SEG_CHUNK)

    pltpu.async_copy(feat_hbm.at[pl.ds(pix0, SUP), pl.ds(0, C)],
                     feat_v.at[0], lsem0)
    pltpu.async_copy(
        feat_hbm.at[pl.ds(pl.multiple_of(pix0 + SUP, SUP), SUP), pl.ds(0, C)],
        feat_v.at[1], lsem1)

    pltpu.sync_copy(z2_hbm, sums_sh.at[pl.ds(seg0, SEG_CHUNK)])
    pltpu.sync_copy(z1_hbm, cnts_sh.at[pl.ds(seg0, SEG_CHUNK)])

    pltpu.sync_copy(sp_hbm.at[pl.ds(row0, NCHUNK)], idx_v)
    pltpu.sync_copy(ones_hbm, ones_v)
    plsc.subcore_barrier()

    lsems = (lsem0, lsem1)
    ssems = (ssem0, ssem1)

    def ring(g, carry):
      for b in range(2):
        kk = 2 * g + b
        pltpu.make_async_copy(
            feat_hbm.at[pl.ds(0, SUP), pl.ds(0, C)], feat_v.at[b],
            lsems[b]).wait()
        handles = []
        for j in range(SCAT):
          idxrow = idx_v.at[kk * SCAT + j]
          handles.append(pltpu.async_copy(
              feat_v.at[b, pl.ds(j * CH, CH)], sums_sh.at[idxrow],
              ssems[b], add=True))
          handles.append(pltpu.async_copy(
              ones_v, cnts_sh.at[idxrow], ssems[b], add=True))
        for h in handles:
          h.wait()

        @pl.when(kk + 2 < NSUPER)
        def _():
          p = pl.multiple_of(pix0 + (kk + 2) * SUP, SUP)
          pltpu.async_copy(feat_hbm.at[pl.ds(p, SUP), pl.ds(0, C)],
                           feat_v.at[b], lsems[b])

      return carry

    lax.fori_loop(0, NSUPER // 2, ring, 0)
    plsc.subcore_barrier()

    pltpu.sync_copy(cnts_sh.at[pl.ds(seg0, SEG_CHUNK)],
                    cnt_v.at[pl.ds(0, SEG_CHUNK)])
    pltpu.sync_copy(sums_sh.at[pl.ds(seg0, SEG_CHUNK)],
                    feat_v.at[0, pl.ds(0, SEG_CHUNK)])
    one_vec = jnp.ones((16,), jnp.float32)
    for j in range(SEG_CHUNK // 16):
      cnt_v[pl.ds(j * 16, 16)] = one_vec / cnt_v[pl.ds(j * 16, 16)]

    def div_row(r, carry):
      inv = jnp.full((16,), cnt_v[pl.ds(r, 16)][0], jnp.float32)
      for j in range(C // 16):
        feat_v[0, r, pl.ds(j * 16, 16)] = (
            feat_v[0, r, pl.ds(j * 16, 16)] * inv)
      return carry

    lax.fori_loop(0, SEG_CHUNK, div_row, 0)
    out0 = pl.multiple_of(c * SEGP + seg0, SEG_CHUNK)
    pltpu.sync_copy(feat_v.at[0, pl.ds(0, SEG_CHUNK)],
                    means_out.at[pl.ds(out0, SEG_CHUNK)])

  return k(featp, sp2d, z2, z1, ones)


def kernel(feature_map, superpixel_map):
  fm_t = feature_map.transpose(0, 1, 3, 2)
  sp2d = superpixel_map.astype(jnp.int32).reshape(NPIX // CH, CH)
  z2 = jnp.zeros((SEG_CHUNK, C), jnp.float32)
  z1 = jnp.zeros((SEG_CHUNK,), jnp.float32)
  ones = jnp.ones((CH,), jnp.float32)
  parts = []
  for half in range(SPLIT):
    featp = _tc_transpose_pad(fm_t, half)
    mp = _sc_segment_mean(featp, sp2d, z2, z1, ones, half)
    parts.append(mp[:NUM_SP])
    parts.append(mp[SEGP:SEGP + NUM_SP])
  return jnp.concatenate(parts, axis=0).reshape(B, NUM_SP, C)

# --- scband reference (transcript-rebuilt; emitter-appended) ---
"""Pipeline reference for scband-superpixel-pooling-50663434223993 (READ-ONLY COPY).

The authoritative reference and input builder live on the scoring server;
editing this copy changes nothing except your own understanding.
"""

import jax, jax.numpy as jnp
import numpy as np

NUM_SUPERPIXELS = 1000


def setup_inputs(seed: int = 0) -> dict:
    key = jax.random.key(seed)
    k1, k2 = jax.random.split(key)
    feature_map = jax.random.normal(k1, (4, 384, 384, 96), dtype=jnp.float32)
    superpixel_map = jax.random.randint(k2, (4, 384, 384), 0, NUM_SUPERPIXELS)
    return {"feature_map": feature_map, "superpixel_map": superpixel_map}


def reference(feature_map, superpixel_map):
    # Faithful translation of SuperpixelPooling.call:
    # per-(batch, superpixel) mean pooling of pixel features.
    B, H, W, C = feature_map.shape
    num_superpixels = NUM_SUPERPIXELS
    flat_feat = feature_map.reshape(-1, C)  # [B*H*W, C]
    sp = superpixel_map.astype(jnp.int32).reshape(-1)  # [B*H*W]
    batch_idx = jnp.repeat(jnp.arange(B, dtype=jnp.int32), H * W)
    seg = batch_idx * num_superpixels + sp  # global segment id in [0, B*num_superpixels)
    num_segments = B * num_superpixels
    sums = jax.ops.segment_sum(flat_feat, seg, num_segments=num_segments)
    counts = jax.ops.segment_sum(
        jnp.ones((flat_feat.shape[0],), dtype=feature_map.dtype), seg,
        num_segments=num_segments)
    # tf.reduce_mean per partition == segment_sum / segment_count
    pooled = sums / counts[:, None]
    return pooled.reshape(B, num_superpixels, C)

if __name__ == "__main__":
    import jax
    _d = setup_inputs()
    print(jax.jit(kernel)(*tuple(_d.values())))

</pallas_src>

<mosaic_0001>
#map = affine_map<(d0, d1) -> (0, 0)>
#map1 = affine_map<(d0, d1) -> (0)>
module attributes {stable_mosaic.version = 14 : i64} {
  func.func @segment_mean_h1(%arg0: i32, %arg1: i32, %arg2: memref<294912x128xf32, #tpu.memory_space<hbm>>, %arg3: memref<4608x128xi32, #tpu.memory_space<hbm>>, %arg4: memref<64x96xf32, #tpu.memory_space<hbm>>, %arg5: memref<64xf32, #tpu.memory_space<hbm>>, %arg6: memref<128xf32, #tpu.memory_space<hbm>>, %arg7: memref<2048x96xf32, #tpu.memory_space<hbm>>, %arg8: memref<72x128xi32, #tpu.memory_space<vmem>>, %arg9: memref<2x256x96xf32, #tpu.memory_space<vmem>>, %arg10: memref<128xf32, #tpu.memory_space<vmem>>, %arg11: memref<80xf32, #tpu.memory_space<vmem>>, %arg12: memref<1024x96xf32, #tpu.memory_space<vmem_shared>>, %arg13: memref<1024xf32, #tpu.memory_space<vmem_shared>>, %arg14: memref<!tpu.dma_semaphore, #tpu.memory_space<semaphore_mem>>, %arg15: memref<!tpu.dma_semaphore, #tpu.memory_space<semaphore_mem>>, %arg16: memref<!tpu.dma_semaphore, #tpu.memory_space<semaphore_mem>>, %arg17: memref<!tpu.dma_semaphore, #tpu.memory_space<semaphore_mem>>) attributes {dimension_semantics = [#tpu.dimension_semantics<core_parallel>, #tpu.dimension_semantics<subcore_parallel>], iteration_bounds = array<i64: 2, 16>, scalar_prefetch = 0 : i64, scratch_operands = 10 : i64, tpu.core_type = #tpu.core_type<sc_vector_subcore>, window_params = [{transform_indices = #map}, {transform_indices = #map}, {transform_indices = #map}, {transform_indices = #map1}, {transform_indices = #map1}, {transform_indices = #map}]} {
    %mul3A = arith.constant 147456 : i32
    %mul3A_0 = arith.muli %arg0, %mul3A : i32
    %mul3A_1 = arith.constant 9216 : i32
    %mul3A_2 = arith.muli %arg1, %mul3A_1 : i32
    %add3A = arith.addi %mul3A_0, %mul3A_2 : i32
    %multiple_of3A = tpu.assume_multiple %add3A, 9216 : i32
    %add3A_3 = arith.constant 294912 : i32
    %add3A_4 = arith.addi %add3A_3, %multiple_of3A : i32
    %jit3A = arith.constant 128 : i32
    %div3A = arith.divsi %add3A_4, %jit3A : i32
    %sign3A = arith.constant 0 : i32
    %sign3A_5 = arith.cmpi sgt, %add3A_4, %sign3A : i32
    %sign3A_6 = arith.extui %sign3A_5 : i1 to i32
    %sign3A_7 = arith.constant 0 : i32
    %sign3A_8 = arith.cmpi slt, %add3A_4, %sign3A_7 : i32
    %sign3A_9 = arith.extui %sign3A_8 : i1 to i32
    %sign3A_10 = arith.subi %sign3A_6, %sign3A_9 : i32
    %sign3A_11 = arith.constant 0 : i32
    %sign3A_12 = arith.cmpi sgt, %jit3A, %sign3A_11 : i32
    %sign3A_13 = arith.extui %sign3A_12 : i1 to i32
    %sign3A_14 = arith.constant 0 : i32
    %sign3A_15 = arith.cmpi slt, %jit3A, %sign3A_14 : i32
    %sign3A_16 = arith.extui %sign3A_15 : i1 to i32
    %sign3A_17 = arith.subi %sign3A_13, %sign3A_16 : i32
    %ne3A = arith.cmpi ne, %sign3A_10, %sign3A_17 : i32
    %rem3A = arith.remsi %add3A_4, %jit3A : i32
    %ne3A_18 = arith.constant 0 : i32
    %ne3A_19 = arith.cmpi ne, %rem3A, %ne3A_18 : i32
    %and3A = arith.andi %ne3A, %ne3A_19 : i1
    %sub3A = arith.constant 1 : i32
    %sub3A_20 = arith.subi %div3A, %sub3A : i32
    %select_n3A = arith.select %and3A, %sub3A_20, %div3A : i32
    %multiple_of3A_21 = tpu.assume_multiple %select_n3A, 72 : i32
    %mul3A_22 = arith.constant 64 : i32
    %mul3A_23 = arith.muli %arg1, %mul3A_22 : i32
    %multiple_of3A_24 = tpu.assume_multiple %mul3A_23, 64 : i32
    %dma_start3A = arith.constant 0 : i32
    %dma_start3A_25 = arith.constant 0 : i32
    %dma_start3A_26 = arith.constant 0 : i32
    %dma_start3A_27 = tpu.memref_slice %arg9[%dma_start3A, %dma_start3A_25, %dma_start3A_26] : memref<2x256x96xf32, #tpu.memory_space<vmem>> -> memref<1x256x96xf32, #tpu.memory_space<vmem>>
    %dma_start3A_28 = tpu.memref_squeeze %dma_start3A_27 : memref<1x256x96xf32, #tpu.memory_space<vmem>> -> memref<256x96xf32, #tpu.memory_space<vmem>>
    %dma_start3A_29 = arith.constant 0 : i32
    %dma_start3A_30 = tpu.memref_slice %arg2[%multiple_of3A, %dma_start3A_29] : memref<294912x128xf32, #tpu.memory_space<hbm>> -> memref<256x96xf32, #tpu.memory_space<hbm>>
    %dma_start3A_31 = arith.constant 0 : i32
    %dma_start3A_32 = arith.constant 0 : i32
    %dma_start3A_33 = tpu.memref_slice %arg9[%dma_start3A, %dma_start3A_31, %dma_start3A_32] : memref<2x256x96xf32, #tpu.memory_space<vmem>> -> memref<1x256x96xf32, #tpu.memory_space<vmem>>
    %dma_start3A_34 = tpu.memref_squeeze %dma_start3A_33 : memref<1x256x96xf32, #tpu.memory_space<vmem>> -> memref<256x96xf32, #tpu.memory_space<vmem>>
    %dma_start3A_35 = arith.constant 0 : i32
    %dma_start3A_36 = tpu.memref_slice %arg2[%multiple_of3A, %dma_start3A_35] : memref<294912x128xf32, #tpu.memory_space<hbm>> -> memref<256x96xf32, #tpu.memory_space<hbm>>
    tpu.enqueue_dma source(%dma_start3A_36 : memref<256x96xf32, #tpu.memory_space<hbm>>) target(%dma_start3A_34 : memref<256x96xf32, #tpu.memory_space<vmem>>) target_semaphore(%arg14 : memref<!tpu.dma_semaphore, #tpu.memory_space<semaphore_mem>>)
    %add3A_37 = arith.constant 256 : i32
    %add3A_38 = arith.addi %multiple_of3A, %add3A_37 : i32
    %multiple_of3A_39 = tpu.assume_multiple %add3A_38, 256 : i32
    %dma_start3A_40 = arith.constant 1 : i32
    %dma_start3A_41 = arith.constant 0 : i32
    %dma_start3A_42 = arith.constant 0 : i32
    %dma_start3A_43 = tpu.memref_slice %arg9[%dma_start3A_40, %dma_start3A_41, %dma_start3A_42] : memref<2x256x96xf32, #tpu.memory_space<vmem>> -> memref<1x256x96xf32, #tpu.memory_space<vmem>>
    %dma_start3A_44 = tpu.memref_squeeze %dma_start3A_43 : memref<1x256x96xf32, #tpu.memory_space<vmem>> -> memref<256x96xf32, #tpu.memory_space<vmem>>
    %dma_start3A_45 = arith.constant 0 : i32
    %dma_start3A_46 = tpu.memref_slice %arg2[%multiple_of3A_39, %dma_start3A_45] : memref<294912x128xf32, #tpu.memory_space<hbm>> -> memref<256x96xf32, #tpu.memory_space<hbm>>
    %dma_start3A_47 = arith.constant 0 : i32
    %dma_start3A_48 = arith.constant 0 : i32
    %dma_start3A_49 = tpu.memref_slice %arg9[%dma_start3A_40, %dma_start3A_47, %dma_start3A_48] : memref<2x256x96xf32, #tpu.memory_space<vmem>> -> memref<1x256x96xf32, #tpu.memory_space<vmem>>
    %dma_start3A_50 = tpu.memref_squeeze %dma_start3A_49 : memref<1x256x96xf32, #tpu.memory_space<vmem>> -> memref<256x96xf32, #tpu.memory_space<vmem>>
    %dma_start3A_51 = arith.constant 0 : i32
    %dma_start3A_52 = tpu.memref_slice %arg2[%multiple_of3A_39, %dma_start3A_51] : memref<294912x128xf32, #tpu.memory_space<hbm>> -> memref<256x96xf32, #tpu.memory_space<hbm>>
    tpu.enqueue_dma source(%dma_start3A_52 : memref<256x96xf32, #tpu.memory_space<hbm>>) target(%dma_start3A_50 : memref<256x96xf32, #tpu.memory_space<vmem>>) target_semaphore(%arg15 : memref<!tpu.dma_semaphore, #tpu.memory_space<semaphore_mem>>)
    "tpu.region"() ({
      %run_scoped3A_101 = tpu.sem_alloc : memref<!tpu.dma_semaphore, #tpu.memory_space<semaphore_mem>>
      %dma_start3A_102 = arith.constant 0 : i32
      %dma_start3A_103 = tpu.memref_slice %arg12[%multiple_of3A_24, %dma_start3A_102] : memref<1024x96xf32, #tpu.memory_space<vmem_shared>> -> memref<64x96xf32, #tpu.memory_space<vmem_shared>>
      tpu.enqueue_dma source(%arg4 : memref<64x96xf32, #tpu.memory_space<hbm>>) target(%dma_start3A_103 : memref<64x96xf32, #tpu.memory_space<vmem_shared>>) target_semaphore(%run_scoped3A_101 : memref<!tpu.dma_semaphore, #tpu.memory_space<semaphore_mem>>)
      %dma_wait3A = arith.constant 0 : i32
      %dma_wait3A_104 = tpu.memref_slice %arg12[%multiple_of3A_24, %dma_wait3A] : memref<1024x96xf32, #tpu.memory_space<vmem_shared>> -> memref<64x96xf32, #tpu.memory_space<vmem_shared>>
      tpu.wait_dma2 semaphore(%run_scoped3A_101 : memref<!tpu.dma_semaphore, #tpu.memory_space<semaphore_mem>>) src(%arg4 : memref<64x96xf32, #tpu.memory_space<hbm>>) dst(%dma_wait3A_104 : memref<64x96xf32, #tpu.memory_space<vmem_shared>>)
      tpu.yield
    }) : () -> ()
    "tpu.region"() ({
      %run_scoped3A_101 = tpu.sem_alloc : memref<!tpu.dma_semaphore, #tpu.memory_space<semaphore_mem>>
      %dma_start3A_102 = tpu.memref_slice %arg13[%multiple_of3A_24] : memref<1024xf32, #tpu.memory_space<vmem_shared>> -> memref<64xf32, #tpu.memory_space<vmem_shared>>
      tpu.enqueue_dma source(%arg5 : memref<64xf32, #tpu.memory_space<hbm>>) target(%dma_start3A_102 : memref<64xf32, #tpu.memory_space<vmem_shared>>) target_semaphore(%run_scoped3A_101 : memref<!tpu.dma_semaphore, #tpu.memory_space<semaphore_mem>>)
      %dma_wait3A = tpu.memref_slice %arg13[%multiple_of3A_24] : memref<1024xf32, #tpu.memory_space<vmem_shared>> -> memref<64xf32, #tpu.memory_space<vmem_shared>>
      tpu.wait_dma2 semaphore(%run_scoped3A_101 : memref<!tpu.dma_semaphore, #tpu.memory_space<semaphore_mem>>) src(%arg5 : memref<64xf32, #tpu.memory_space<hbm>>) dst(%dma_wait3A : memref<64xf32, #tpu.memory_space<vmem_shared>>)
      tpu.yield
    }) : () -> ()
    "tpu.region"() ({
      %run_scoped3A_101 = tpu.sem_alloc : memref<!tpu.dma_semaphore, #tpu.memory_space<semaphore_mem>>
      %dma_start3A_102 = arith.constant 0 : i32
      %dma_start3A_103 = tpu.memref_slice %arg3[%multiple_of3A_21, %dma_start3A_102] : memref<4608x128xi32, #tpu.memory_space<hbm>> -> memref<72x128xi32, #tpu.memory_space<hbm>>
      %dma_start3A_104 = arith.constant 0 : i32
      %dma_start3A_105 = tpu.memref_slice %arg3[%multiple_of3A_21, %dma_start3A_104] : memref<4608x128xi32, #tpu.memory_space<hbm>> -> memref<72x128xi32, #tpu.memory_space<hbm>>
      tpu.enqueue_dma source(%dma_start3A_105 : memref<72x128xi32, #tpu.memory_space<hbm>>) target(%arg8 : memref<72x128xi32, #tpu.memory_space<vmem>>) target_semaphore(%run_scoped3A_101 : memref<!tpu.dma_semaphore, #tpu.memory_space<semaphore_mem>>)
      %dma_wait3A = arith.constant 0 : i32
      %dma_wait3A_106 = tpu.memref_slice %arg3[%multiple_of3A_21, %dma_wait3A] : memref<4608x128xi32, #tpu.memory_space<hbm>> -> memref<72x128xi32, #tpu.memory_space<hbm>>
      %dma_wait3A_107 = arith.constant 0 : i32
      %dma_wait3A_108 = tpu.memref_slice %arg3[%multiple_of3A_21, %dma_wait3A_107] : memref<4608x128xi32, #tpu.memory_space<hbm>> -> memref<72x128xi32, #tpu.memory_space<hbm>>
      tpu.wait_dma2 semaphore(%run_scoped3A_101 : memref<!tpu.dma_semaphore, #tpu.memory_space<semaphore_mem>>) src(%dma_wait3A_108 : memref<72x128xi32, #tpu.memory_space<hbm>>) dst(%arg8 : memref<72x128xi32, #tpu.memory_space<vmem>>)
      tpu.yield
    }) : () -> ()
    "tpu.region"() ({
      %run_scoped3A_101 = tpu.sem_alloc : memref<!tpu.dma_semaphore, #tpu.memory_space<semaphore_mem>>
      tpu.enqueue_dma source(%arg6 : memref<128xf32, #tpu.memory_space<hbm>>) target(%arg10 : memref<128xf32, #tpu.memory_space<vmem>>) target_semaphore(%run_scoped3A_101 : memref<!tpu.dma_semaphore, #tpu.memory_space<semaphore_mem>>)
      tpu.wait_dma2 semaphore(%run_scoped3A_101 : memref<!tpu.dma_semaphore, #tpu.memory_space<semaphore_mem>>) src(%arg6 : memref<128xf32, #tpu.memory_space<hbm>>) dst(%arg10 : memref<128xf32, #tpu.memory_space<vmem>>)
      tpu.yield
    }) : () -> ()
    %barrier3A = arith.constant 0 : index
    tpu.barrier barrier_id(%barrier3A)
    %scan3A = arith.constant 0 : i32
    %scan3A_53 = arith.constant 0 : i32
    %scan3A_54 = arith.constant 18 : i32
    %scan3A_55 = arith.addi %scan3A_53, %scan3A_54 : i32
    %scan3A_56 = arith.constant 1 : i32
    scf.for %scan3A_101 = %scan3A_53 to %scan3A_55 step %scan3A_56  : i32 {
      %mul3A_102 = arith.constant 2 : i32
      %mul3A_103 = arith.muli %mul3A_102, %scan3A_101 : i32
      %add3A_104 = arith.constant 0 : i32
      %add3A_105 = arith.addi %mul3A_103, %add3A_104 : i32
      %dma_wait3A = arith.constant 0 : i32
      %dma_wait3A_106 = arith.constant 0 : i32
      %dma_wait3A_107 = arith.constant 0 : i32
      %dma_wait3A_108 = tpu.memref_slice %arg9[%dma_wait3A, %dma_wait3A_106, %dma_wait3A_107] : memref<2x256x96xf32, #tpu.memory_space<vmem>> -> memref<1x256x96xf32, #tpu.memory_space<vmem>>
      %dma_wait3A_109 = tpu.memref_squeeze %dma_wait3A_108 : memref<1x256x96xf32, #tpu.memory_space<vmem>> -> memref<256x96xf32, #tpu.memory_space<vmem>>
      %dma_wait3A_110 = arith.constant 0 : i32
      %dma_wait3A_111 = arith.constant 0 : i32
      %dma_wait3A_112 = tpu.memref_slice %arg2[%dma_wait3A_110, %dma_wait3A_111] : memref<294912x128xf32, #tpu.memory_space<hbm>> -> memref<256x96xf32, #tpu.memory_space<hbm>>
      %dma_wait3A_113 = arith.constant 0 : i32
      %dma_wait3A_114 = arith.constant 0 : i32
      %dma_wait3A_115 = tpu.memref_slice %arg9[%dma_wait3A, %dma_wait3A_113, %dma_wait3A_114] : memref<2x256x96xf32, #tpu.memory_space<vmem>> -> memref<1x256x96xf32, #tpu.memory_space<vmem>>
      %dma_wait3A_116 = tpu.memref_squeeze %dma_wait3A_115 : memref<1x256x96xf32, #tpu.memory_space<vmem>> -> memref<256x96xf32, #tpu.memory_space<vmem>>
      %dma_wait3A_117 = arith.constant 0 : i32
      %dma_wait3A_118 = arith.constant 0 : i32
      %dma_wait3A_119 = tpu.memref_slice %arg2[%dma_wait3A_117, %dma_wait3A_118] : memref<294912x128xf32, #tpu.memory_space<hbm>> -> memref<256x96xf32, #tpu.memory_space<hbm>>
      tpu.wait_dma2 semaphore(%arg14 : memref<!tpu.dma_semaphore, #tpu.memory_space<semaphore_mem>>) src(%dma_wait3A_119 : memref<256x96xf32, #tpu.memory_space<hbm>>) dst(%dma_wait3A_116 : memref<256x96xf32, #tpu.memory_space<vmem>>)
      %mul3A_120 = arith.constant 2 : i32
      %mul3A_121 = arith.muli %add3A_105, %mul3A_120 : i32
      %add3A_122 = arith.constant 0 : i32
      %add3A_123 = arith.addi %mul3A_121, %add3A_122 : i32
      %dma_start3A_124 = arith.constant 0 : i32
      %dma_start3A_125 = arith.constant 0 : i32
      %dma_start3A_126 = arith.constant 0 : i32
      %dma_start3A_127 = tpu.memref_slice %arg9[%dma_start3A_124, %dma_start3A_125, %dma_start3A_126] : memref<2x256x96xf32, #tpu.memory_space<vmem>> -> memref<1x128x96xf32, #tpu.memory_space<vmem>>
      %dma_start3A_128 = tpu.memref_squeeze %dma_start3A_127 : memref<1x128x96xf32, #tpu.memory_space<vmem>> -> memref<128x96xf32, #tpu.memory_space<vmem>>
      %dma_start3A_129 = arith.constant 0 : i32
      %dma_start3A_130 = tpu.memref_slice %arg8[%add3A_123, %dma_start3A_129] : memref<72x128xi32, #tpu.memory_space<vmem>> -> memref<1x128xi32, #tpu.memory_space<vmem>>
      %dma_start3A_131 = tpu.memref_squeeze %dma_start3A_130 : memref<1x128xi32, #tpu.memory_space<vmem>> -> memref<128xi32, #tpu.memory_space<vmem>>
      %dma_start3A_132 = arith.constant 0 : i32
      %dma_start3A_133 = arith.constant 0 : i32
      %dma_start3A_134 = tpu.memref_slice %arg12[%dma_start3A_132, %dma_start3A_133] : memref<1024x96xf32, #tpu.memory_space<vmem_shared>> -> memref<1024x96xf32, #tpu.memory_space<vmem_shared>>
      tpu.enqueue_indirect_dma source(%dma_start3A_128 : memref<128x96xf32, #tpu.memory_space<vmem>>) target(%dma_start3A_134 : memref<1024x96xf32, #tpu.memory_space<vmem_shared>>) offsets(%dma_start3A_131 : memref<128xi32, #tpu.memory_space<vmem>>) semaphore(%arg16 : memref<!tpu.dma_semaphore, #tpu.memory_space<semaphore_mem>>) {add = true}
      %dma_start3A_135 = arith.constant 0 : i32
      %dma_start3A_136 = tpu.memref_slice %arg8[%add3A_123, %dma_start3A_135] : memref<72x128xi32, #tpu.memory_space<vmem>> -> memref<1x128xi32, #tpu.memory_space<vmem>>
      %dma_start3A_137 = tpu.memref_squeeze %dma_start3A_136 : memref<1x128xi32, #tpu.memory_space<vmem>> -> memref<128xi32, #tpu.memory_space<vmem>>
      %dma_start3A_138 = arith.constant 0 : i32
      %dma_start3A_139 = tpu.memref_slice %arg13[%dma_start3A_138] : memref<1024xf32, #tpu.memory_space<vmem_shared>> -> memref<1024xf32, #tpu.memory_space<vmem_shared>>
      tpu.enqueue_indirect_dma source(%arg10 : memref<128xf32, #tpu.memory_space<vmem>>) target(%dma_start3A_139 : memref<1024xf32, #tpu.memory_space<vmem_shared>>) offsets(%dma_start3A_137 : memref<128xi32, #tpu.memory_space<vmem>>) semaphore(%arg16 : memref<!tpu.dma_semaphore, #tpu.memory_space<semaphore_mem>>) {add = true}
      %mul3A_140 = arith.constant 2 : i32
      %mul3A_141 = arith.muli %add3A_105, %mul3A_140 : i32
      %add3A_142 = arith.constant 1 : i32
      %add3A_143 = arith.addi %mul3A_141, %add3A_142 : i32
      %dma_start3A_144 = arith.constant 0 : i32
      %dma_start3A_145 = arith.constant 128 : i32
      %dma_start3A_146 = arith.constant 0 : i32
      %dma_start3A_147 = tpu.memref_slice %arg9[%dma_start3A_144, %dma_start3A_145, %dma_start3A_146] : memref<2x256x96xf32, #tpu.memory_space<vmem>> -> memref<1x128x96xf32, #tpu.memory_space<vmem>>
      %dma_start3A_148 = tpu.memref_squeeze %dma_start3A_147 : memref<1x128x96xf32, #tpu.memory_space<vmem>> -> memref<128x96xf32, #tpu.memory_space<vmem>>
      %dma_start3A_149 = arith.constant 0 : i32
      %dma_start3A_150 = tpu.memref_slice %arg8[%add3A_143, %dma_start3A_149] : memref<72x128xi32, #tpu.memory_space<vmem>> -> memref<1x128xi32, #tpu.memory_space<vmem>>
      %dma_start3A_151 = tpu.memref_squeeze %dma_start3A_150 : memref<1x128xi32, #tpu.memory_space<vmem>> -> memref<128xi32, #tpu.memory_space<vmem>>
      %dma_start3A_152 = arith.constant 0 : i32
      %dma_start3A_153 = arith.constant 0 : i32
      %dma_start3A_154 = tpu.memref_slice %arg12[%dma_start3A_152, %dma_start3A_153] : memref<1024x96xf32, #tpu.memory_space<vmem_shared>> -> memref<1024x96xf32, #tpu.memory_space<vmem_shared>>
      tpu.enqueue_indirect_dma source(%dma_start3A_148 : memref<128x96xf32, #tpu.memory_space<vmem>>) target(%dma_start3A_154 : memref<1024x96xf32, #tpu.memory_space<vmem_shared>>) offsets(%dma_start3A_151 : memref<128xi32, #tpu.memory_space<vmem>>) semaphore(%arg16 : memref<!tpu.dma_semaphore, #tpu.memory_space<semaphore_mem>>) {add = true}
      %dma_start3A_155 = arith.constant 0 : i32
      %dma_start3A_156 = tpu.memref_slice %arg8[%add3A_143, %dma_start3A_155] : memref<72x128xi32, #tpu.memory_space<vmem>> -> memref<1x128xi32, #tpu.memory_space<vmem>>
      %dma_start3A_157 = tpu.memref_squeeze %dma_start3A_156 : memref<1x128xi32, #tpu.memory_space<vmem>> -> memref<128xi32, #tpu.memory_space<vmem>>
      %dma_start3A_158 = arith.constant 0 : i32
      %dma_start3A_159 = tpu.memref_slice %arg13[%dma_start3A_158] : memref<1024xf32, #tpu.memory_space<vmem_shared>> -> memref<1024xf32, #tpu.memory_space<vmem_shared>>
      tpu.enqueue_indirect_dma source(%arg10 : memref<128xf32, #tpu.memory_space<vmem>>) target(%dma_start3A_159 : memref<1024xf32, #tpu.memory_space<vmem_shared>>) offsets(%dma_start3A_157 : memref<128xi32, #tpu.memory_space<vmem>>) semaphore(%arg16 : memref<!tpu.dma_semaphore, #tpu.memory_space<semaphore_mem>>) {add = true}
      %dma_wait3A_160 = arith.constant 0 : i32
      %dma_wait3A_161 = arith.constant 0 : i32
      %dma_wait3A_162 = arith.constant 0 : i32
      %dma_wait3A_163 = tpu.memref_slice %arg9[%dma_wait3A_160, %dma_wait3A_161, %dma_wait3A_162] : memref<2x256x96xf32, #tpu.memory_space<vmem>> -> memref<1x128x96xf32, #tpu.memory_space<vmem>>
      %dma_wait3A_164 = tpu.memref_squeeze %dma_wait3A_163 : memref<1x128x96xf32, #tpu.memory_space<vmem>> -> memref<128x96xf32, #tpu.memory_space<vmem>>
      %dma_wait3A_165 = arith.constant 0 : i32
      %dma_wait3A_166 = tpu.memref_slice %arg8[%add3A_123, %dma_wait3A_165] : memref<72x128xi32, #tpu.memory_space<vmem>> -> memref<1x128xi32, #tpu.memory_space<vmem>>
      %dma_wait3A_167 = tpu.memref_squeeze %dma_wait3A_166 : memref<1x128xi32, #tpu.memory_space<vmem>> -> memref<128xi32, #tpu.memory_space<vmem>>
      %dma_wait3A_168 = arith.constant 0 : i32
      %dma_wait3A_169 = arith.constant 0 : i32
      %dma_wait3A_170 = tpu.memref_slice %arg12[%dma_wait3A_168, %dma_wait3A_169] : memref<1024x96xf32, #tpu.memory_space<vmem_shared>> -> memref<1024x96xf32, #tpu.memory_space<vmem_shared>>
      tpu.wait_indirect_dma semaphore(%arg16 : memref<!tpu.dma_semaphore, #tpu.memory_space<semaphore_mem>>) src(%dma_wait3A_164 : memref<128x96xf32, #tpu.memory_space<vmem>>) dst(%dma_wait3A_170 : memref<1024x96xf32, #tpu.memory_space<vmem_shared>>)
      %dma_wait3A_171 = arith.constant 0 : i32
      %dma_wait3A_172 = tpu.memref_slice %arg8[%add3A_123, %dma_wait3A_171] : memref<72x128xi32, #tpu.memory_space<vmem>> -> memref<1x128xi32, #tpu.memory_space<vmem>>
      %dma_wait3A_173 = tpu.memref_squeeze %dma_wait3A_172 : memref<1x128xi32, #tpu.memory_space<vmem>> -> memref<128xi32, #tpu.memory_space<vmem>>
      %dma_wait3A_174 = arith.constant 0 : i32
      %dma_wait3A_175 = tpu.memref_slice %arg13[%dma_wait3A_174] : memref<1024xf32, #tpu.memory_space<vmem_shared>> -> memref<1024xf32, #tpu.memory_space<vmem_shared>>
      tpu.wait_indirect_dma semaphore(%arg16 : memref<!tpu.dma_semaphore, #tpu.memory_space<semaphore_mem>>) src(%arg10 : memref<128xf32, #tpu.memory_space<vmem>>) dst(%dma_wait3A_175 : memref<1024xf32, #tpu.memory_space<vmem_shared>>)
      %dma_wait3A_176 = arith.constant 0 : i32
      %dma_wait3A_177 = arith.constant 128 : i32
      %dma_wait3A_178 = arith.constant 0 : i32
      %dma_wait3A_179 = tpu.memref_slice %arg9[%dma_wait3A_176, %dma_wait3A_177, %dma_wait3A_178] : memref<2x256x96xf32, #tpu.memory_space<vmem>> -> memref<1x128x96xf32, #tpu.memory_space<vmem>>
      %dma_wait3A_180 = tpu.memref_squeeze %dma_wait3A_179 : memref<1x128x96xf32, #tpu.memory_space<vmem>> -> memref<128x96xf32, #tpu.memory_space<vmem>>
      %dma_wait3A_181 = arith.constant 0 : i32
      %dma_wait3A_182 = tpu.memref_slice %arg8[%add3A_143, %dma_wait3A_181] : memref<72x128xi32, #tpu.memory_space<vmem>> -> memref<1x128xi32, #tpu.memory_space<vmem>>
      %dma_wait3A_183 = tpu.memref_squeeze %dma_wait3A_182 : memref<1x128xi32, #tpu.memory_space<vmem>> -> memref<128xi32, #tpu.memory_space<vmem>>
      %dma_wait3A_184 = arith.constant 0 : i32
      %dma_wait3A_185 = arith.constant 0 : i32
      %dma_wait3A_186 = tpu.memref_slice %arg12[%dma_wait3A_184, %dma_wait3A_185] : memref<1024x96xf32, #tpu.memory_space<vmem_shared>> -> memref<1024x96xf32, #tpu.memory_space<vmem_shared>>
      tpu.wait_indirect_dma semaphore(%arg16 : memref<!tpu.dma_semaphore, #tpu.memory_space<semaphore_mem>>) src(%dma_wait3A_180 : memref<128x96xf32, #tpu.memory_space<vmem>>) dst(%dma_wait3A_186 : memref<1024x96xf32, #tpu.memory_space<vmem_shared>>)
      %dma_wait3A_187 = arith.constant 0 : i32
      %dma_wait3A_188 = tpu.memref_slice %arg8[%add3A_143, %dma_wait3A_187] : memref<72x128xi32, #tpu.memory_space<vmem>> -> memref<1x128xi32, #tpu.memory_space<vmem>>
      %dma_wait3A_189 = tpu.memref_squeeze %dma_wait3A_188 : memref<1x128xi32, #tpu.memory_space<vmem>> -> memref<128xi32, #tpu.memory_space<vmem>>
      %dma_wait3A_190 = arith.constant 0 : i32
      %dma_wait3A_191 = tpu.memref_slice %arg13[%dma_wait3A_190] : memref<1024xf32, #tpu.memory_space<vmem_shared>> -> memref<1024xf32, #tpu.memory_space<vmem_shared>>
      tpu.wait_indirect_dma semaphore(%arg16 : memref<!tpu.dma_semaphore, #tpu.memory_space<semaphore_mem>>) src(%arg10 : memref<128xf32, #tpu.memory_space<vmem>>) dst(%dma_wait3A_191 : memref<1024xf32, #tpu.memory_space<vmem_shared>>)
      %add3A_192 = arith.constant 2 : i32
      %add3A_193 = arith.addi %add3A_105, %add3A_192 : i32
      %lt3A = arith.constant 36 : i32
      %lt3A_194 = arith.cmpi slt, %add3A_193, %lt3A : i32
      %convert_element_type3A = arith.extui %lt3A_194 : i1 to i32
      %cond3A = arith.constant 0 : i32
      %cond3A_195 = arith.cmpi ne, %convert_element_type3A, %cond3A : i32
      scf.if %cond3A_195 {
        %add3A_294 = arith.constant 2 : i32
        %add3A_295 = arith.addi %add3A_105, %add3A_294 : i32
        %mul3A_296 = arith.constant 256 : i32
        %mul3A_297 = arith.muli %add3A_295, %mul3A_296 : i32
        %add3A_298 = arith.addi %multiple_of3A, %mul3A_297 : i32
        %multiple_of3A_299 = tpu.assume_multiple %add3A_298, 256 : i32
        %dma_start3A_300 = arith.constant 0 : i32
        %dma_start3A_301 = arith.constant 0 : i32
        %dma_start3A_302 = arith.constant 0 : i32
        %dma_start3A_303 = tpu.memref_slice %arg9[%dma_start3A_300, %dma_start3A_301, %dma_start3A_302] : memref<2x256x96xf32, #tpu.memory_space<vmem>> -> memref<1x256x96xf32, #tpu.memory_space<vmem>>
        %dma_start3A_304 = tpu.memref_squeeze %dma_start3A_303 : memref<1x256x96xf32, #tpu.memory_space<vmem>> -> memref<256x96xf32, #tpu.memory_space<vmem>>
        %dma_start3A_305 = arith.constant 0 : i32
        %dma_start3A_306 = tpu.memref_slice %arg2[%multiple_of3A_299, %dma_start3A_305] : memref<294912x128xf32, #tpu.memory_space<hbm>> -> memref<256x96xf32, #tpu.memory_space<hbm>>
        %dma_start3A_307 = arith.constant 0 : i32
        %dma_start3A_308 = arith.constant 0 : i32
        %dma_start3A_309 = tpu.memref_slice %arg9[%dma_start3A_300, %dma_start3A_307, %dma_start3A_308] : memref<2x256x96xf32, #tpu.memory_space<vmem>> -> memref<1x256x96xf32, #tpu.memory_space<vmem>>
        %dma_start3A_310 = tpu.memref_squeeze %dma_start3A_309 : memref<1x256x96xf32, #tpu.memory_space<vmem>> -> memref<256x96xf32, #tpu.memory_space<vmem>>
        %dma_start3A_311 = arith.constant 0 : i32
        %dma_start3A_312 = tpu.memref_slice %arg2[%multiple_of3A_299, %dma_start3A_311] : memref<294912x128xf32, #tpu.memory_space<hbm>> -> memref<256x96xf32, #tpu.memory_space<hbm>>
        tpu.enqueue_dma source(%dma_start3A_312 : memref<256x96xf32, #tpu.memory_space<hbm>>) target(%dma_start3A_310 : memref<256x96xf32, #tpu.memory_space<vmem>>) target_semaphore(%arg14 : memref<!tpu.dma_semaphore, #tpu.memory_space<semaphore_mem>>)
      } else {
      }
      %mul3A_196 = arith.constant 2 : i32
      %mul3A_197 = arith.muli %mul3A_196, %scan3A_101 : i32
      %add3A_198 = arith.constant 1 : i32
      %add3A_199 = arith.addi %mul3A_197, %add3A_198 : i32
      %dma_wait3A_200 = arith.constant 1 : i32
      %dma_wait3A_201 = arith.constant 0 : i32
      %dma_wait3A_202 = arith.constant 0 : i32
      %dma_wait3A_203 = tpu.memref_slice %arg9[%dma_wait3A_200, %dma_wait3A_201, %dma_wait3A_202] : memref<2x256x96xf32, #tpu.memory_space<vmem>> -> memref<1x256x96xf32, #tpu.memory_space<vmem>>
      %dma_wait3A_204 = tpu.memref_squeeze %dma_wait3A_203 : memref<1x256x96xf32, #tpu.memory_space<vmem>> -> memref<256x96xf32, #tpu.memory_space<vmem>>
      %dma_wait3A_205 = arith.constant 0 : i32
      %dma_wait3A_206 = arith.constant 0 : i32
      %dma_wait3A_207 = tpu.memref_slice %arg2[%dma_wait3A_205, %dma_wait3A_206] : memref<294912x128xf32, #tpu.memory_space<hbm>> -> memref<256x96xf32, #tpu.memory_space<hbm>>
      %dma_wait3A_208 = arith.constant 0 : i32
      %dma_wait3A_209 = arith.constant 0 : i32
      %dma_wait3A_210 = tpu.memref_slice %arg9[%dma_wait3A_200, %dma_wait3A_208, %dma_wait3A_209] : memref<2x256x96xf32, #tpu.memory_space<vmem>> -> memref<1x256x96xf32, #tpu.memory_space<vmem>>
      %dma_wait3A_211 = tpu.memref_squeeze %dma_wait3A_210 : memref<1x256x96xf32, #tpu.memory_space<vmem>> -> memref<256x96xf32, #tpu.memory_space<vmem>>
      %dma_wait3A_212 = arith.constant 0 : i32
      %dma_wait3A_213 = arith.constant 0 : i32
      %dma_wait3A_214 = tpu.memref_slice %arg2[%dma_wait3A_212, %dma_wait3A_213] : memref<294912x128xf32, #tpu.memory_space<hbm>> -> memref<256x96xf32, #tpu.memory_space<hbm>>
      tpu.wait_dma2 semaphore(%arg15 : memref<!tpu.dma_semaphore, #tpu.memory_space<semaphore_mem>>) src(%dma_wait3A_214 : memref<256x96xf32, #tpu.memory_space<hbm>>) dst(%dma_wait3A_211 : memref<256x96xf32, #tpu.memory_space<vmem>>)
      %mul3A_215 = arith.constant 2 : i32
      %mul3A_216 = arith.muli %add3A_199, %mul3A_215 : i32
      %add3A_217 = arith.constant 0 : i32
      %add3A_218 = arith.addi %mul3A_216, %add3A_217 : i32
      %dma_start3A_219 = arith.constant 1 : i32
      %dma_start3A_220 = arith.constant 0 : i32
      %dma_start3A_221 = arith.constant 0 : i32
      %dma_start3A_222 = tpu.memref_slice %arg9[%dma_start3A_219, %dma_start3A_220, %dma_start3A_221] : memref<2x256x96xf32, #tpu.memory_space<vmem>> -> memref<1x128x96xf32, #tpu.memory_space<vmem>>
      %dma_start3A_223 = tpu.memref_squeeze %dma_start3A_222 : memref<1x128x96xf32, #tpu.memory_space<vmem>> -> memref<128x96xf32, #tpu.memory_space<vmem>>
      %dma_start3A_224 = arith.constant 0 : i32
      %dma_start3A_225 = tpu.memref_slice %arg8[%add3A_218, %dma_start3A_224] : memref<72x128xi32, #tpu.memory_space<vmem>> -> memref<1x128xi32, #tpu.memory_space<vmem>>
      %dma_start3A_226 = tpu.memref_squeeze %dma_start3A_225 : memref<1x128xi32, #tpu.memory_space<vmem>> -> memref<128xi32, #tpu.memory_space<vmem>>
      %dma_start3A_227 = arith.constant 0 : i32
      %dma_start3A_228 = arith.constant 0 : i32
      %dma_start3A_229 = tpu.memref_slice %arg12[%dma_start3A_227, %dma_start3A_228] : memref<1024x96xf32, #tpu.memory_space<vmem_shared>> -> memref<1024x96xf32, #tpu.memory_space<vmem_shared>>
      tpu.enqueue_indirect_dma source(%dma_start3A_223 : memref<128x96xf32, #tpu.memory_space<vmem>>) target(%dma_start3A_229 : memref<1024x96xf32, #tpu.memory_space<vmem_shared>>) offsets(%dma_start3A_226 : memref<128xi32, #tpu.memory_space<vmem>>) semaphore(%arg17 : memref<!tpu.dma_semaphore, #tpu.memory_space<semaphore_mem>>) {add = true}
      %dma_start3A_230 = arith.constant 0 : i32
      %dma_start3A_231 = tpu.memref_slice %arg8[%add3A_218, %dma_start3A_230] : memref<72x128xi32, #tpu.memory_space<vmem>> -> memref<1x128xi32, #tpu.memory_space<vmem>>
      %dma_start3A_232 = tpu.memref_squeeze %dma_start3A_231 : memref<1x128xi32, #tpu.memory_space<vmem>> -> memref<128xi32, #tpu.memory_space<vmem>>
      %dma_start3A_233 = arith.constant 0 : i32
      %dma_start3A_234 = tpu.memref_slice %arg13[%dma_start3A_233] : memref<1024xf32, #tpu.memory_space<vmem_shared>> -> memref<1024xf32, #tpu.memory_space<vmem_shared>>
      tpu.enqueue_indirect_dma source(%arg10 : memref<128xf32, #tpu.memory_space<vmem>>) target(%dma_start3A_234 : memref<1024xf32, #tpu.memory_space<vmem_shared>>) offsets(%dma_start3A_232 : memref<128xi32, #tpu.memory_space<vmem>>) semaphore(%arg17 : memref<!tpu.dma_semaphore, #tpu.memory_space<semaphore_mem>>) {add = true}
      %mul3A_235 = arith.constant 2 : i32
      %mul3A_236 = arith.muli %add3A_199, %mul3A_235 : i32
      %add3A_237 = arith.constant 1 : i32
      %add3A_238 = arith.addi %mul3A_236, %add3A_237 : i32
      %dma_start3A_239 = arith.constant 1 : i32
      %dma_start3A_240 = arith.constant 128 : i32
      %dma_start3A_241 = arith.constant 0 : i32
      %dma_start3A_242 = tpu.memref_slice %arg9[%dma_start3A_239, %dma_start3A_240, %dma_start3A_241] : memref<2x256x96xf32, #tpu.memory_space<vmem>> -> memref<1x128x96xf32, #tpu.memory_space<vmem>>
      %dma_start3A_243 = tpu.memref_squeeze %dma_start3A_242 : memref<1x128x96xf32, #tpu.memory_space<vmem>> -> memref<128x96xf32, #tpu.memory_space<vmem>>
      %dma_start3A_244 = arith.constant 0 : i32
      %dma_start3A_245 = tpu.memref_slice %arg8[%add3A_238, %dma_start3A_244] : memref<72x128xi32, #tpu.memory_space<vmem>> -> memref<1x128xi32, #tpu.memory_space<vmem>>
      %dma_start3A_246 = tpu.memref_squeeze %dma_start3A_245 : memref<1x128xi32, #tpu.memory_space<vmem>> -> memref<128xi32, #tpu.memory_space<vmem>>
      %dma_start3A_247 = arith.constant 0 : i32
      %dma_start3A_248 = arith.constant 0 : i32
      %dma_start3A_249 = tpu.memref_slice %arg12[%dma_start3A_247, %dma_start3A_248] : memref<1024x96xf32, #tpu.memory_space<vmem_shared>> -> memref<1024x96xf32, #tpu.memory_space<vmem_shared>>
      tpu.enqueue_indirect_dma source(%dma_start3A_243 : memref<128x96xf32, #tpu.memory_space<vmem>>) target(%dma_start3A_249 : memref<1024x96xf32, #tpu.memory_space<vmem_shared>>) offsets(%dma_start3A_246 : memref<128xi32, #tpu.memory_space<vmem>>) semaphore(%arg17 : memref<!tpu.dma_semaphore, #tpu.memory_space<semaphore_mem>>) {add = true}
      %dma_start3A_250 = arith.constant 0 : i32
      %dma_start3A_251 = tpu.memref_slice %arg8[%add3A_238, %dma_start3A_250] : memref<72x128xi32, #tpu.memory_space<vmem>> -> memref<1x128xi32, #tpu.memory_space<vmem>>
      %dma_start3A_252 = tpu.memref_squeeze %dma_start3A_251 : memref<1x128xi32, #tpu.memory_space<vmem>> -> memref<128xi32, #tpu.memory_space<vmem>>
      %dma_start3A_253 = arith.constant 0 : i32
      %dma_start3A_254 = tpu.memref_slice %arg13[%dma_start3A_253] : memref<1024xf32, #tpu.memory_space<vmem_shared>> -> memref<1024xf32, #tpu.memory_space<vmem_shared>>
      tpu.enqueue_indirect_dma source(%arg10 : memref<128xf32, #tpu.memory_space<vmem>>) target(%dma_start3A_254 : memref<1024xf32, #tpu.memory_space<vmem_shared>>) offsets(%dma_start3A_252 : memref<128xi32, #tpu.memory_space<vmem>>) semaphore(%arg17 : memref<!tpu.dma_semaphore, #tpu.memory_space<semaphore_mem>>) {add = true}
      %dma_wait3A_255 = arith.constant 1 : i32
      %dma_wait3A_256 = arith.constant 0 : i32
      %dma_wait3A_257 = arith.constant 0 : i32
      %dma_wait3A_258 = tpu.memref_slice %arg9[%dma_wait3A_255, %dma_wait3A_256, %dma_wait3A_257] : memref<2x256x96xf32, #tpu.memory_space<vmem>> -> memref<1x128x96xf32, #tpu.memory_space<vmem>>
      %dma_wait3A_259 = tpu.memref_squeeze %dma_wait3A_258 : memref<1x128x96xf32, #tpu.memory_space<vmem>> -> memref<128x96xf32, #tpu.memory_space<vmem>>
      %dma_wait3A_260 = arith.constant 0 : i32
      %dma_wait3A_261 = tpu.memref_slice %arg8[%add3A_218, %dma_wait3A_260] : memref<72x128xi32, #tpu.memory_space<vmem>> -> memref<1x128xi32, #tpu.memory_space<vmem>>
      %dma_wait3A_262 = tpu.memref_squeeze %dma_wait3A_261 : memref<1x128xi32, #tpu.memory_space<vmem>> -> memref<128xi32, #tpu.memory_space<vmem>>
      %dma_wait3A_263 = arith.constant 0 : i32
      %dma_wait3A_264 = arith.constant 0 : i32
      %dma_wait3A_265 = tpu.memref_slice %arg12[%dma_wait3A_263, %dma_wait3A_264] : memref<1024x96xf32, #tpu.memory_space<vmem_shared>> -> memref<1024x96xf32, #tpu.memory_space<vmem_shared>>
      tpu.wait_indirect_dma semaphore(%arg17 : memref<!tpu.dma_semaphore, #tpu.memory_space<semaphore_mem>>) src(%dma_wait3A_259 : memref<128x96xf32, #tpu.memory_space<vmem>>) dst(%dma_wait3A_265 : memref<1024x96xf32, #tpu.memory_space<vmem_shared>>)
      %dma_wait3A_266 = arith.constant 0 : i32
      %dma_wait3A_267 = tpu.memref_slice %arg8[%add3A_218, %dma_wait3A_266] : memref<72x128xi32, #tpu.memory_space<vmem>> -> memref<1x128xi32, #tpu.memory_space<vmem>>
      %dma_wait3A_268 = tpu.memref_squeeze %dma_wait3A_267 : memref<1x128xi32, #tpu.memory_space<vmem>> -> memref<128xi32, #tpu.memory_space<vmem>>
      %dma_wait3A_269 = arith.constant 0 : i32
      %dma_wait3A_270 = tpu.memref_slice %arg13[%dma_wait3A_269] : memref<1024xf32, #tpu.memory_space<vmem_shared>> -> memref<1024xf32, #tpu.memory_space<vmem_shared>>
      tpu.wait_indirect_dma semaphore(%arg17 : memref<!tpu.dma_semaphore, #tpu.memory_space<semaphore_mem>>) src(%arg10 : memref<128xf32, #tpu.memory_space<vmem>>) dst(%dma_wait3A_270 : memref<1024xf32, #tpu.memory_space<vmem_shared>>)
      %dma_wait3A_271 = arith.constant 1 : i32
      %dma_wait3A_272 = arith.constant 128 : i32
      %dma_wait3A_273 = arith.constant 0 : i32
      %dma_wait3A_274 = tpu.memref_slice %arg9[%dma_wait3A_271, %dma_wait3A_272, %dma_wait3A_273] : memref<2x256x96xf32, #tpu.memory_space<vmem>> -> memref<1x128x96xf32, #tpu.memory_space<vmem>>
      %dma_wait3A_275 = tpu.memref_squeeze %dma_wait3A_274 : memref<1x128x96xf32, #tpu.memory_space<vmem>> -> memref<128x96xf32, #tpu.memory_space<vmem>>
      %dma_wait3A_276 = arith.constant 0 : i32
      %dma_wait3A_277 = tpu.memref_slice %arg8[%add3A_238, %dma_wait3A_276] : memref<72x128xi32, #tpu.memory_space<vmem>> -> memref<1x128xi32, #tpu.memory_space<vmem>>
      %dma_wait3A_278 = tpu.memref_squeeze %dma_wait3A_277 : memref<1x128xi32, #tpu.memory_space<vmem>> -> memref<128xi32, #tpu.memory_space<vmem>>
      %dma_wait3A_279 = arith.constant 0 : i32
      %dma_wait3A_280 = arith.constant 0 : i32
      %dma_wait3A_281 = tpu.memref_slice %arg12[%dma_wait3A_279, %dma_wait3A_280] : memref<1024x96xf32, #tpu.memory_space<vmem_shared>> -> memref<1024x96xf32, #tpu.memory_space<vmem_shared>>
      tpu.wait_indirect_dma semaphore(%arg17 : memref<!tpu.dma_semaphore, #tpu.memory_space<semaphore_mem>>) src(%dma_wait3A_275 : memref<128x96xf32, #tpu.memory_space<vmem>>) dst(%dma_wait3A_281 : memref<1024x96xf32, #tpu.memory_space<vmem_shared>>)
      %dma_wait3A_282 = arith.constant 0 : i32
      %dma_wait3A_283 = tpu.memref_slice %arg8[%add3A_238, %dma_wait3A_282] : memref<72x128xi32, #tpu.memory_space<vmem>> -> memref<1x128xi32, #tpu.memory_space<vmem>>
      %dma_wait3A_284 = tpu.memref_squeeze %dma_wait3A_283 : memref<1x128xi32, #tpu.memory_space<vmem>> -> memref<128xi32, #tpu.memory_space<vmem>>
      %dma_wait3A_285 = arith.constant 0 : i32
      %dma_wait3A_286 = tpu.memref_slice %arg13[%dma_wait3A_285] : memref<1024xf32, #tpu.memory_space<vmem_shared>> -> memref<1024xf32, #tpu.memory_space<vmem_shared>>
      tpu.wait_indirect_dma semaphore(%arg17 : memref<!tpu.dma_semaphore, #tpu.memory_space<semaphore_mem>>) src(%arg10 : memref<128xf32, #tpu.memory_space<vmem>>) dst(%dma_wait3A_286 : memref<1024xf32, #tpu.memory_space<vmem_shared>>)
      %add3A_287 = arith.constant 2 : i32
      %add3A_288 = arith.addi %add3A_199, %add3A_287 : i32
      %lt3A_289 = arith.constant 36 : i32
      %lt3A_290 = arith.cmpi slt, %add3A_288, %lt3A_289 : i32
      %convert_element_type3A_291 = arith.extui %lt3A_290 : i1 to i32
      %cond3A_292 = arith.constant 0 : i32
      %cond3A_293 = arith.cmpi ne, %convert_element_type3A_291, %cond3A_292 : i32
      scf.if %cond3A_293 {
        %add3A_294 = arith.constant 2 : i32
        %add3A_295 = arith.addi %add3A_199, %add3A_294 : i32
        %mul3A_296 = arith.constant 256 : i32
        %mul3A_297 = arith.muli %add3A_295, %mul3A_296 : i32
        %add3A_298 = arith.addi %multiple_of3A, %mul3A_297 : i32
        %multiple_of3A_299 = tpu.assume_multiple %add3A_298, 256 : i32
        %dma_start3A_300 = arith.constant 1 : i32
        %dma_start3A_301 = arith.constant 0 : i32
        %dma_start3A_302 = arith.constant 0 : i32
        %dma_start3A_303 = tpu.memref_slice %arg9[%dma_start3A_300, %dma_start3A_301, %dma_start3A_302] : memref<2x256x96xf32, #tpu.memory_space<vmem>> -> memref<1x256x96xf32, #tpu.memory_space<vmem>>
        %dma_start3A_304 = tpu.memref_squeeze %dma_start3A_303 : memref<1x256x96xf32, #tpu.memory_space<vmem>> -> memref<256x96xf32, #tpu.memory_space<vmem>>
        %dma_start3A_305 = arith.constant 0 : i32
        %dma_start3A_306 = tpu.memref_slice %arg2[%multiple_of3A_299, %dma_start3A_305] : memref<294912x128xf32, #tpu.memory_space<hbm>> -> memref<256x96xf32, #tpu.memory_space<hbm>>
        %dma_start3A_307 = arith.constant 0 : i32
        %dma_start3A_308 = arith.constant 0 : i32
        %dma_start3A_309 = tpu.memref_slice %arg9[%dma_start3A_300, %dma_start3A_307, %dma_start3A_308] : memref<2x256x96xf32, #tpu.memory_space<vmem>> -> memref<1x256x96xf32, #tpu.memory_space<vmem>>
        %dma_start3A_310 = tpu.memref_squeeze %dma_start3A_309 : memref<1x256x96xf32, #tpu.memory_space<vmem>> -> memref<256x96xf32, #tpu.memory_space<vmem>>
        %dma_start3A_311 = arith.constant 0 : i32
        %dma_start3A_312 = tpu.memref_slice %arg2[%multiple_of3A_299, %dma_start3A_311] : memref<294912x128xf32, #tpu.memory_space<hbm>> -> memref<256x96xf32, #tpu.memory_space<hbm>>
        tpu.enqueue_dma source(%dma_start3A_312 : memref<256x96xf32, #tpu.memory_space<hbm>>) target(%dma_start3A_310 : memref<256x96xf32, #tpu.memory_space<vmem>>) target_semaphore(%arg15 : memref<!tpu.dma_semaphore, #tpu.memory_space<semaphore_mem>>)
      } else {
      }
    }
    %scan3A_57 = arith.constant 18 : i32
    %barrier3A_58 = arith.constant 0 : index
    tpu.barrier barrier_id(%barrier3A_58)
    "tpu.region"() ({
      %run_scoped3A_101 = tpu.sem_alloc : memref<!tpu.dma_semaphore, #tpu.memory_space<semaphore_mem>>
      %dma_start3A_102 = arith.constant 0 : i32
      %dma_start3A_103 = tpu.memref_slice %arg11[%dma_start3A_102] : memref<80xf32, #tpu.memory_space<vmem>> -> memref<64xf32, #tpu.memory_space<vmem>>
      %dma_start3A_104 = tpu.memref_slice %arg13[%multiple_of3A_24] : memref<1024xf32, #tpu.memory_space<vmem_shared>> -> memref<64xf32, #tpu.memory_space<vmem_shared>>
      %dma_start3A_105 = arith.constant 0 : i32
      %dma_start3A_106 = tpu.memref_slice %arg11[%dma_start3A_105] : memref<80xf32, #tpu.memory_space<vmem>> -> memref<64xf32, #tpu.memory_space<vmem>>
      %dma_start3A_107 = tpu.memref_slice %arg13[%multiple_of3A_24] : memref<1024xf32, #tpu.memory_space<vmem_shared>> -> memref<64xf32, #tpu.memory_space<vmem_shared>>
      tpu.enqueue_dma source(%dma_start3A_107 : memref<64xf32, #tpu.memory_space<vmem_shared>>) target(%dma_start3A_106 : memref<64xf32, #tpu.memory_space<vmem>>) target_semaphore(%run_scoped3A_101 : memref<!tpu.dma_semaphore, #tpu.memory_space<semaphore_mem>>)
      %dma_wait3A = arith.constant 0 : i32
      %dma_wait3A_108 = tpu.memref_slice %arg11[%dma_wait3A] : memref<80xf32, #tpu.memory_space<vmem>> -> memref<64xf32, #tpu.memory_space<vmem>>
      %dma_wait3A_109 = tpu.memref_slice %arg13[%multiple_of3A_24] : memref<1024xf32, #tpu.memory_space<vmem_shared>> -> memref<64xf32, #tpu.memory_space<vmem_shared>>
      %dma_wait3A_110 = arith.constant 0 : i32
      %dma_wait3A_111 = tpu.memref_slice %arg11[%dma_wait3A_110] : memref<80xf32, #tpu.memory_space<vmem>> -> memref<64xf32, #tpu.memory_space<vmem>>
      %dma_wait3A_112 = tpu.memref_slice %arg13[%multiple_of3A_24] : memref<1024xf32, #tpu.memory_space<vmem_shared>> -> memref<64xf32, #tpu.memory_space<vmem_shared>>
      tpu.wait_dma2 semaphore(%run_scoped3A_101 : memref<!tpu.dma_semaphore, #tpu.memory_space<semaphore_mem>>) src(%dma_wait3A_112 : memref<64xf32, #tpu.memory_space<vmem_shared>>) dst(%dma_wait3A_111 : memref<64xf32, #tpu.memory_space<vmem>>)
      tpu.yield
    }) : () -> ()
    %run_scoped3A = arith.constant 0 : i32
    "tpu.region"() ({
      %run_scoped3A_101 = tpu.sem_alloc : memref<!tpu.dma_semaphore, #tpu.memory_space<semaphore_mem>>
      %dma_start3A_102 = arith.constant 0 : i32
      %dma_start3A_103 = arith.constant 0 : i32
      %dma_start3A_104 = tpu.memref_slice %arg9[%run_scoped3A, %dma_start3A_102, %dma_start3A_103] : memref<2x256x96xf32, #tpu.memory_space<vmem>> -> memref<1x64x96xf32, #tpu.memory_space<vmem>>
      %dma_start3A_105 = tpu.memref_squeeze %dma_start3A_104 : memref<1x64x96xf32, #tpu.memory_space<vmem>> -> memref<64x96xf32, #tpu.memory_space<vmem>>
      %dma_start3A_106 = arith.constant 0 : i32
      %dma_start3A_107 = tpu.memref_slice %arg12[%multiple_of3A_24, %dma_start3A_106] : memref<1024x96xf32, #tpu.memory_space<vmem_shared>> -> memref<64x96xf32, #tpu.memory_space<vmem_shared>>
      %dma_start3A_108 = arith.constant 0 : i32
      %dma_start3A_109 = arith.constant 0 : i32
      %dma_start3A_110 = tpu.memref_slice %arg9[%run_scoped3A, %dma_start3A_108, %dma_start3A_109] : memref<2x256x96xf32, #tpu.memory_space<vmem>> -> memref<1x64x96xf32, #tpu.memory_space<vmem>>
      %dma_start3A_111 = tpu.memref_squeeze %dma_start3A_110 : memref<1x64x96xf32, #tpu.memory_space<vmem>> -> memref<64x96xf32, #tpu.memory_space<vmem>>
      %dma_start3A_112 = arith.constant 0 : i32
      %dma_start3A_113 = tpu.memref_slice %arg12[%multiple_of3A_24, %dma_start3A_112] : memref<1024x96xf32, #tpu.memory_space<vmem_shared>> -> memref<64x96xf32, #tpu.memory_space<vmem_shared>>
      tpu.enqueue_dma source(%dma_start3A_113 : memref<64x96xf32, #tpu.memory_space<vmem_shared>>) target(%dma_start3A_111 : memref<64x96xf32, #tpu.memory_space<vmem>>) target_semaphore(%run_scoped3A_101 : memref<!tpu.dma_semaphore, #tpu.memory_space<semaphore_mem>>)
      %dma_wait3A = arith.constant 0 : i32
      %dma_wait3A_114 = arith.constant 0 : i32
      %dma_wait3A_115 = tpu.memref_slice %arg9[%run_scoped3A, %dma_wait3A, %dma_wait3A_114] : memref<2x256x96xf32, #tpu.memory_space<vmem>> -> memref<1x64x96xf32, #tpu.memory_space<vmem>>
      %dma_wait3A_116 = tpu.memref_squeeze %dma_wait3A_115 : memref<1x64x96xf32, #tpu.memory_space<vmem>> -> memref<64x96xf32, #tpu.memory_space<vmem>>
      %dma_wait3A_117 = arith.constant 0 : i32
      %dma_wait3A_118 = tpu.memref_slice %arg12[%multiple_of3A_24, %dma_wait3A_117] : memref<1024x96xf32, #tpu.memory_space<vmem_shared>> -> memref<64x96xf32, #tpu.memory_space<vmem_shared>>
      %dma_wait3A_119 = arith.constant 0 : i32
      %dma_wait3A_120 = arith.constant 0 : i32
      %dma_wait3A_121 = tpu.memref_slice %arg9[%run_scoped3A, %dma_wait3A_119, %dma_wait3A_120] : memref<2x256x96xf32, #tpu.memory_space<vmem>> -> memref<1x64x96xf32, #tpu.memory_space<vmem>>
      %dma_wait3A_122 = tpu.memref_squeeze %dma_wait3A_121 : memref<1x64x96xf32, #tpu.memory_space<vmem>> -> memref<64x96xf32, #tpu.memory_space<vmem>>
      %dma_wait3A_123 = arith.constant 0 : i32
      %dma_wait3A_124 = tpu.memref_slice %arg12[%multiple_of3A_24, %dma_wait3A_123] : memref<1024x96xf32, #tpu.memory_space<vmem_shared>> -> memref<64x96xf32, #tpu.memory_space<vmem_shared>>
      tpu.wait_dma2 semaphore(%run_scoped3A_101 : memref<!tpu.dma_semaphore, #tpu.memory_space<semaphore_mem>>) src(%dma_wait3A_124 : memref<64x96xf32, #tpu.memory_space<vmem_shared>>) dst(%dma_wait3A_122 : memref<64x96xf32, #tpu.memory_space<vmem>>)
      tpu.yield
    }) : () -> ()
    %broadcast_in_dim3A = arith.constant 1.000000e+00 : f32
    %broadcast_in_dim3A_59 = vector.broadcast %broadcast_in_dim3A : f32 to vector<16xf32>
    %get3A = arith.constant 0 : index
    %get3A_60 = tpu.vector_load %arg11[%get3A] {strides = array<i32>} : memref<80xf32, #tpu.memory_space<vmem>>, vector<16xf32>,
    %get3A_61 = vector.shape_cast %get3A_60 : vector<16xf32> to vector<16xf32>
    %div3A_62 = arith.divf %broadcast_in_dim3A_59, %get3A_61 : vector<16xf32>
    %swap3A = arith.constant 0 : index
    %swap3A_63 = tpu.vector_load %arg11[%swap3A] {strides = array<i32>} : memref<80xf32, #tpu.memory_space<vmem>>, vector<16xf32>,
    %swap3A_64 = vector.shape_cast %swap3A_63 : vector<16xf32> to vector<16xf32>
    %swap3A_65 = vector.shape_cast %div3A_62 : vector<16xf32> to vector<16xf32>
    tpu.vector_store %arg11[%swap3A], %swap3A_65 {strides = array<i32>} : memref<80xf32, #tpu.memory_space<vmem>>, vector<16xf32>,
    %get3A_66 = arith.constant 16 : index
    %get3A_67 = tpu.vector_load %arg11[%get3A_66] {strides = array<i32>} : memref<80xf32, #tpu.memory_space<vmem>>, vector<16xf32>,
    %get3A_68 = vector.shape_cast %get3A_67 : vector<16xf32> to vector<16xf32>
    %div3A_69 = arith.divf %broadcast_in_dim3A_59, %get3A_68 : vector<16xf32>
    %swap3A_70 = arith.constant 16 : index
    %swap3A_71 = tpu.vector_load %arg11[%swap3A_70] {strides = array<i32>} : memref<80xf32, #tpu.memory_space<vmem>>, vector<16xf32>,
    %swap3A_72 = vector.shape_cast %swap3A_71 : vector<16xf32> to vector<16xf32>
    %swap3A_73 = vector.shape_cast %div3A_69 : vector<16xf32> to vector<16xf32>
    tpu.vector_store %arg11[%swap3A_70], %swap3A_73 {strides = array<i32>} : memref<80xf32, #tpu.memory_space<vmem>>, vector<16xf32>,
    %get3A_74 = arith.constant 32 : index
    %get3A_75 = tpu.vector_load %arg11[%get3A_74] {strides = array<i32>} : memref<80xf32, #tpu.memory_space<vmem>>, vector<16xf32>,
    %get3A_76 = vector.shape_cast %get3A_75 : vector<16xf32> to vector<16xf32>
    %div3A_77 = arith.divf %broadcast_in_dim3A_59, %get3A_76 : vector<16xf32>
    %swap3A_78 = arith.constant 32 : index
    %swap3A_79 = tpu.vector_load %arg11[%swap3A_78] {strides = array<i32>} : memref<80xf32, #tpu.memory_space<vmem>>, vector<16xf32>,
    %swap3A_80 = vector.shape_cast %swap3A_79 : vector<16xf32> to vector<16xf32>
    %swap3A_81 = vector.shape_cast %div3A_77 : vector<16xf32> to vector<16xf32>
    tpu.vector_store %arg11[%swap3A_78], %swap3A_81 {strides = array<i32>} : memref<80xf32, #tpu.memory_space<vmem>>, vector<16xf32>,
    %get3A_82 = arith.constant 48 : index
    %get3A_83 = tpu.vector_load %arg11[%get3A_82] {strides = array<i32>} : memref<80xf32, #tpu.memory_space<vmem>>, vector<16xf32>,
    %get3A_84 = vector.shape_cast %get3A_83 : vector<16xf32> to vector<16xf32>
    %div3A_85 = arith.divf %broadcast_in_dim3A_59, %get3A_84 : vector<16xf32>
    %swap3A_86 = arith.constant 48 : index
    %swap3A_87 = tpu.vector_load %arg11[%swap3A_86] {strides = array<i32>} : memref<80xf32, #tpu.memory_space<vmem>>, vector<16xf32>,
    %swap3A_88 = vector.shape_cast %swap3A_87 : vector<16xf32> to vector<16xf32>
    %swap3A_89 = vector.shape_cast %div3A_85 : vector<16xf32> to vector<16xf32>
    tpu.vector_store %arg11[%swap3A_86], %swap3A_89 {strides = array<i32>} : memref<80xf32, #tpu.memory_space<vmem>>, vector<16xf32>,
    %scan3A_90 = arith.constant 0 : i32
    %scan3A_91 = arith.constant 0 : i32
    %scan3A_92 = arith.constant 64 : i32
    %scan3A_93 = arith.addi %scan3A_91, %scan3A_92 : i32
    %scan3A_94 = arith.constant 1 : i32
    scf.for %scan3A_101 = %scan3A_91 to %scan3A_93 step %scan3A_94  : i32 {
      %get3A_102 = arith.index_cast %scan3A_101 : i32 to index
      %get3A_103 = tpu.vector_load %arg11[%get3A_102] {strides = array<i32>} : memref<80xf32, #tpu.memory_space<vmem>>, vector<16xf32>,
      %get3A_104 = vector.shape_cast %get3A_103 : vector<16xf32> to vector<16xf32>
      %slice3A = vector.extract_strided_slice %get3A_104 {offsets = [0], sizes = [1], strides = [1]} : vector<16xf32> to vector<1xf32>
      %squeeze3A = vector.extract %slice3A[0] : f32 from vector<1xf32>
      %broadcast_in_dim3A_105 = vector.broadcast %squeeze3A : f32 to vector<16xf32>
      %get3A_106 = arith.constant 0 : i32
      %get3A_107 = arith.index_cast %get3A_106 : i32 to index
      %get3A_108 = arith.index_cast %scan3A_101 : i32 to index
      %get3A_109 = arith.constant 0 : index
      %get3A_110 = tpu.vector_load %arg9[%get3A_107, %get3A_108, %get3A_109] {strides = array<i32>} : memref<2x256x96xf32, #tpu.memory_space<vmem>>, vector<1x1x16xf32>,
      %get3A_111 = vector.shape_cast %get3A_110 : vector<1x1x16xf32> to vector<16xf32>
      %mul3A_112 = arith.mulf %get3A_111, %broadcast_in_dim3A_105 : vector<16xf32>
      %swap3A_113 = arith.constant 0 : i32
      %swap3A_114 = arith.index_cast %swap3A_113 : i32 to index
      %swap3A_115 = arith.index_cast %scan3A_101 : i32 to index
      %swap3A_116 = arith.constant 0 : index
      %swap3A_117 = tpu.vector_load %arg9[%swap3A_114, %swap3A_115, %swap3A_116] {strides = array<i32>} : memref<2x256x96xf32, #tpu.memory_space<vmem>>, vector<1x1x16xf32>,
      %swap3A_118 = vector.shape_cast %swap3A_117 : vector<1x1x16xf32> to vector<16xf32>
      %swap3A_119 = vector.shape_cast %mul3A_112 : vector<16xf32> to vector<1x1x16xf32>
      tpu.vector_store %arg9[%swap3A_114, %swap3A_115, %swap3A_116], %swap3A_119 {strides = array<i32>} : memref<2x256x96xf32, #tpu.memory_space<vmem>>, vector<1x1x16xf32>,
      %get3A_120 = arith.constant 0 : i32
      %get3A_121 = arith.index_cast %get3A_120 : i32 to index
      %get3A_122 = arith.index_cast %scan3A_101 : i32 to index
      %get3A_123 = arith.constant 16 : index
      %get3A_124 = tpu.vector_load %arg9[%get3A_121, %get3A_122, %get3A_123] {strides = array<i32>} : memref<2x256x96xf32, #tpu.memory_space<vmem>>, vector<1x1x16xf32>,
      %get3A_125 = vector.shape_cast %get3A_124 : vector<1x1x16xf32> to vector<16xf32>
      %mul3A_126 = arith.mulf %get3A_125, %broadcast_in_dim3A_105 : vector<16xf32>
      %swap3A_127 = arith.constant 0 : i32
      %swap3A_128 = arith.index_cast %swap3A_127 : i32 to index
      %swap3A_129 = arith.index_cast %scan3A_101 : i32 to index
      %swap3A_130 = arith.constant 16 : index
      %swap3A_131 = tpu.vector_load %arg9[%swap3A_128, %swap3A_129, %swap3A_130] {strides = array<i32>} : memref<2x256x96xf32, #tpu.memory_space<vmem>>, vector<1x1x16xf32>,
      %swap3A_132 = vector.shape_cast %swap3A_131 : vector<1x1x16xf32> to vector<16xf32>
      %swap3A_133 = vector.shape_cast %mul3A_126 : vector<16xf32> to vector<1x1x16xf32>
      tpu.vector_store %arg9[%swap3A_128, %swap3A_129, %swap3A_130], %swap3A_133 {strides = array<i32>} : memref<2x256x96xf32, #tpu.memory_space<vmem>>, vector<1x1x16xf32>,
      %get3A_134 = arith.constant 0 : i32
      %get3A_135 = arith.index_cast %get3A_134 : i32 to index
      %get3A_136 = arith.index_cast %scan3A_101 : i32 to index
      %get3A_137 = arith.constant 32 : index
      %get3A_138 = tpu.vector_load %arg9[%get3A_135, %get3A_136, %get3A_137] {strides = array<i32>} : memref<2x256x96xf32, #tpu.memory_space<vmem>>, vector<1x1x16xf32>,
      %get3A_139 = vector.shape_cast %get3A_138 : vector<1x1x16xf32> to vector<16xf32>
      %mul3A_140 = arith.mulf %get3A_139, %broadcast_in_dim3A_105 : vector<16xf32>
      %swap3A_141 = arith.constant 0 : i32
      %swap3A_142 = arith.index_cast %swap3A_141 : i32 to index
      %swap3A_143 = arith.index_cast %scan3A_101 : i32 to index
      %swap3A_144 = arith.constant 32 : index
      %swap3A_145 = tpu.vector_load %arg9[%swap3A_142, %swap3A_143, %swap3A_144] {strides = array<i32>} : memref<2x256x96xf32, #tpu.memory_space<vmem>>, vector<1x1x16xf32>,
      %swap3A_146 = vector.shape_cast %swap3A_145 : vector<1x1x16xf32> to vector<16xf32>
      %swap3A_147 = vector.shape_cast %mul3A_140 : vector<16xf32> to vector<1x1x16xf32>
      tpu.vector_store %arg9[%swap3A_142, %swap3A_143, %swap3A_144], %swap3A_147 {strides = array<i32>} : memref<2x256x96xf32, #tpu.memory_space<vmem>>, vector<1x1x16xf32>,
      %get3A_148 = arith.constant 0 : i32
      %get3A_149 = arith.index_cast %get3A_148 : i32 to index
      %get3A_150 = arith.index_cast %scan3A_101 : i32 to index
      %get3A_151 = arith.constant 48 : index
      %get3A_152 = tpu.vector_load %arg9[%get3A_149, %get3A_150, %get3A_151] {strides = array<i32>} : memref<2x256x96xf32, #tpu.memory_space<vmem>>, vector<1x1x16xf32>,
      %get3A_153 = vector.shape_cast %get3A_152 : vector<1x1x16xf32> to vector<16xf32>
      %mul3A_154 = arith.mulf %get3A_153, %broadcast_in_dim3A_105 : vector<16xf32>
      %swap3A_155 = arith.constant 0 : i32
      %swap3A_156 = arith.index_cast %swap3A_155 : i32 to index
      %swap3A_157 = arith.index_cast %scan3A_101 : i32 to index
      %swap3A_158 = arith.constant 48 : index
      %swap3A_159 = tpu.vector_load %arg9[%swap3A_156, %swap3A_157, %swap3A_158] {strides = array<i32>} : memref<2x256x96xf32, #tpu.memory_space<vmem>>, vector<1x1x16xf32>,
      %swap3A_160 = vector.shape_cast %swap3A_159 : vector<1x1x16xf32> to vector<16xf32>
      %swap3A_161 = vector.shape_cast %mul3A_154 : vector<16xf32> to vector<1x1x16xf32>
      tpu.vector_store %arg9[%swap3A_156, %swap3A_157, %swap3A_158], %swap3A_161 {strides = array<i32>} : memref<2x256x96xf32, #tpu.memory_space<vmem>>, vector<1x1x16xf32>,
      %get3A_162 = arith.constant 0 : i32
      %get3A_163 = arith.index_cast %get3A_162 : i32 to index
      %get3A_164 = arith.index_cast %scan3A_101 : i32 to index
      %get3A_165 = arith.constant 64 : index
      %get3A_166 = tpu.vector_load %arg9[%get3A_163, %get3A_164, %get3A_165] {strides = array<i32>} : memref<2x256x96xf32, #tpu.memory_space<vmem>>, vector<1x1x16xf32>,
      %get3A_167 = vector.shape_cast %get3A_166 : vector<1x1x16xf32> to vector<16xf32>
      %mul3A_168 = arith.mulf %get3A_167, %broadcast_in_dim3A_105 : vector<16xf32>
      %swap3A_169 = arith.constant 0 : i32
      %swap3A_170 = arith.index_cast %swap3A_169 : i32 to index
      %swap3A_171 = arith.index_cast %scan3A_101 : i32 to index
      %swap3A_172 = arith.constant 64 : index
      %swap3A_173 = tpu.vector_load %arg9[%swap3A_170, %swap3A_171, %swap3A_172] {strides = array<i32>} : memref<2x256x96xf32, #tpu.memory_space<vmem>>, vector<1x1x16xf32>,
      %swap3A_174 = vector.shape_cast %swap3A_173 : vector<1x1x16xf32> to vector<16xf32>
      %swap3A_175 = vector.shape_cast %mul3A_168 : vector<16xf32> to vector<1x1x16xf32>
      tpu.vector_store %arg9[%swap3A_170, %swap3A_171, %swap3A_172], %swap3A_175 {strides = array<i32>} : memref<2x256x96xf32, #tpu.memory_space<vmem>>, vector<1x1x16xf32>,
      %get3A_176 = arith.constant 0 : i32
      %get3A_177 = arith.index_cast %get3A_176 : i32 to index
      %get3A_178 = arith.index_cast %scan3A_101 : i32 to index
      %get3A_179 = arith.constant 80 : index
      %get3A_180 = tpu.vector_load %arg9[%get3A_177, %get3A_178, %get3A_179] {strides = array<i32>} : memref<2x256x96xf32, #tpu.memory_space<vmem>>, vector<1x1x16xf32>,
      %get3A_181 = vector.shape_cast %get3A_180 : vector<1x1x16xf32> to vector<16xf32>
      %mul3A_182 = arith.mulf %get3A_181, %broadcast_in_dim3A_105 : vector<16xf32>
      %swap3A_183 = arith.constant 0 : i32
      %swap3A_184 = arith.index_cast %swap3A_183 : i32 to index
      %swap3A_185 = arith.index_cast %scan3A_101 : i32 to index
      %swap3A_186 = arith.constant 80 : index
      %swap3A_187 = tpu.vector_load %arg9[%swap3A_184, %swap3A_185, %swap3A_186] {strides = array<i32>} : memref<2x256x96xf32, #tpu.memory_space<vmem>>, vector<1x1x16xf32>,
      %swap3A_188 = vector.shape_cast %swap3A_187 : vector<1x1x16xf32> to vector<16xf32>
      %swap3A_189 = vector.shape_cast %mul3A_182 : vector<16xf32> to vector<1x1x16xf32>
      tpu.vector_store %arg9[%swap3A_184, %swap3A_185, %swap3A_186], %swap3A_189 {strides = array<i32>} : memref<2x256x96xf32, #tpu.memory_space<vmem>>, vector<1x1x16xf32>,
    }
    %scan3A_95 = arith.constant 64 : i32
    %mul3A_96 = arith.constant 1024 : i32
    %mul3A_97 = arith.muli %arg0, %mul3A_96 : i32
    %add3A_98 = arith.addi %mul3A_97, %multiple_of3A_24 : i32
    %multiple_of3A_99 = tpu.assume_multiple %add3A_98, 64 : i32
    %run_scoped3A_100 = arith.constant 0 : i32
    "tpu.region"() ({
      %run_scoped3A_101 = tpu.sem_alloc : memref<!tpu.dma_semaphore, #tpu.memory_space<semaphore_mem>>
      %dma_start3A_102 = arith.constant 0 : i32
      %dma_start3A_103 = arith.constant 0 : i32
      %dma_start3A_104 = tpu.memref_slice %arg9[%run_scoped3A_100, %dma_start3A_102, %dma_start3A_103] : memref<2x256x96xf32, #tpu.memory_space<vmem>> -> memref<1x64x96xf32, #tpu.memory_space<vmem>>
      %dma_start3A_105 = tpu.memref_squeeze %dma_start3A_104 : memref<1x64x96xf32, #tpu.memory_space<vmem>> -> memref<64x96xf32, #tpu.memory_space<vmem>>
      %dma_start3A_106 = arith.constant 0 : i32
      %dma_start3A_107 = tpu.memref_slice %arg7[%multiple_of3A_99, %dma_start3A_106] : memref<2048x96xf32, #tpu.memory_space<hbm>> -> memref<64x96xf32, #tpu.memory_space<hbm>>
      %dma_start3A_108 = arith.constant 0 : i32
      %dma_start3A_109 = tpu.memref_slice %arg7[%multiple_of3A_99, %dma_start3A_108] : memref<2048x96xf32, #tpu.memory_space<hbm>> -> memref<64x96xf32, #tpu.memory_space<hbm>>
      %dma_start3A_110 = arith.constant 0 : i32
      %dma_start3A_111 = arith.constant 0 : i32
      %dma_start3A_112 = tpu.memref_slice %arg9[%run_scoped3A_100, %dma_start3A_110, %dma_start3A_111] : memref<2x256x96xf32, #tpu.memory_space<vmem>> -> memref<1x64x96xf32, #tpu.memory_space<vmem>>
      %dma_start3A_113 = tpu.memref_squeeze %dma_start3A_112 : memref<1x64x96xf32, #tpu.memory_space<vmem>> -> memref<64x96xf32, #tpu.memory_space<vmem>>
      tpu.enqueue_dma source(%dma_start3A_113 : memref<64x96xf32, #tpu.memory_space<vmem>>) target(%dma_start3A_109 : memref<64x96xf32, #tpu.memory_space<hbm>>) target_semaphore(%run_scoped3A_101 : memref<!tpu.dma_semaphore, #tpu.memory_space<semaphore_mem>>)
      %dma_wait3A = arith.constant 0 : i32
      %dma_wait3A_114 = arith.constant 0 : i32
      %dma_wait3A_115 = tpu.memref_slice %arg9[%run_scoped3A_100, %dma_wait3A, %dma_wait3A_114] : memref<2x256x96xf32, #tpu.memory_space<vmem>> -> memref<1x64x96xf32, #tpu.memory_space<vmem>>
      %dma_wait3A_116 = tpu.memref_squeeze %dma_wait3A_115 : memref<1x64x96xf32, #tpu.memory_space<vmem>> -> memref<64x96xf32, #tpu.memory_space<vmem>>
      %dma_wait3A_117 = arith.constant 0 : i32
      %dma_wait3A_118 = tpu.memref_slice %arg7[%multiple_of3A_99, %dma_wait3A_117] : memref<2048x96xf32, #tpu.memory_space<hbm>> -> memref<64x96xf32, #tpu.memory_space<hbm>>
      %dma_wait3A_119 = arith.constant 0 : i32
      %dma_wait3A_120 = tpu.memref_slice %arg7[%multiple_of3A_99, %dma_wait3A_119] : memref<2048x96xf32, #tpu.memory_space<hbm>> -> memref<64x96xf32, #tpu.memory_space<hbm>>
      %dma_wait3A_121 = arith.constant 0 : i32
      %dma_wait3A_122 = arith.constant 0 : i32
      %dma_wait3A_123 = tpu.memref_slice %arg9[%run_scoped3A_100, %dma_wait3A_121, %dma_wait3A_122] : memref<2x256x96xf32, #tpu.memory_space<vmem>> -> memref<1x64x96xf32, #tpu.memory_space<vmem>>
      %dma_wait3A_124 = tpu.memref_squeeze %dma_wait3A_123 : memref<1x64x96xf32, #tpu.memory_space<vmem>> -> memref<64x96xf32, #tpu.memory_space<vmem>>
      tpu.wait_dma2 semaphore(%run_scoped3A_101 : memref<!tpu.dma_semaphore, #tpu.memory_space<semaphore_mem>>) src(%dma_wait3A_124 : memref<64x96xf32, #tpu.memory_space<vmem>>) dst(%dma_wait3A_120 : memref<64x96xf32, #tpu.memory_space<hbm>>)
      tpu.yield
    }) : () -> ()
    return
  }
}

#map = affine_map<(d0, d1) -> (0, 0)>
#map1 = affine_map<(d0, d1) -> (0)>
module attributes {stable_mosaic.version = 14 : i64} {
  func.func @segment_mean_h0(%arg0: i32, %arg1: i32, %arg2: memref<294912x128xf32, #tpu.memory_space<hbm>>, %arg3: memref<4608x128xi32, #tpu.memory_space<hbm>>, %arg4: memref<64x96xf32, #tpu.memory_space<hbm>>, %arg5: memref<64xf32, #tpu.memory_space<hbm>>, %arg6: memref<128xf32, #tpu.memory_space<hbm>>, %arg7: memref<2048x96xf32, #tpu.memory_space<hbm>>, %arg8: memref<72x128xi32, #tpu.memory_space<vmem>>, %arg9: memref<2x256x96xf32, #tpu.memory_space<vmem>>, %arg10: memref<128xf32, #tpu.memory_space<vmem>>, %arg11: memref<80xf32, #tpu.memory_space<vmem>>, %arg12: memref<1024x96xf32, #tpu.memory_space<vmem_shared>>, %arg13: memref<1024xf32, #tpu.memory_space<vmem_shared>>, %arg14: memref<!tpu.dma_semaphore, #tpu.memory_space<semaphore_mem>>, %arg15: memref<!tpu.dma_semaphore, #tpu.memory_space<semaphore_mem>>, %arg16: memref<!tpu.dma_semaphore, #tpu.memory_space<semaphore_mem>>, %arg17: memref<!tpu.dma_semaphore, #tpu.memory_space<semaphore_mem>>) attributes {dimension_semantics = [#tpu.dimension_semantics<core_parallel>, #tpu.dimension_semantics<subcore_parallel>], iteration_bounds = array<i64: 2, 16>, scalar_prefetch = 0 : i64, scratch_operands = 10 : i64, tpu.core_type = #tpu.core_type<sc_vector_subcore>, window_params = [{transform_indices = #map}, {transform_indices = #map}, {transform_indices = #map}, {transform_indices = #map1}, {transform_indices = #map1}, {transform_indices = #map}]} {
    %mul3A = arith.constant 147456 : i32
    %mul3A_0 = arith.muli %arg0, %mul3A : i32
    %mul3A_1 = arith.constant 9216 : i32
    %mul3A_2 = arith.muli %arg1, %mul3A_1 : i32
    %add3A = arith.addi %mul3A_0, %mul3A_2 : i32
    %multiple_of3A = tpu.assume_multiple %add3A, 9216 : i32
    %add3A_3 = arith.constant 0 : i32
    %add3A_4 = arith.addi %add3A_3, %multiple_of3A : i32
    %jit3A = arith.constant 128 : i32
    %div3A = arith.divsi %add3A_4, %jit3A : i32
    %sign3A = arith.constant 0 : i32
    %sign3A_5 = arith.cmpi sgt, %add3A_4, %sign3A : i32
    %sign3A_6 = arith.extui %sign3A_5 : i1 to i32
    %sign3A_7 = arith.constant 0 : i32
    %sign3A_8 = arith.cmpi slt, %add3A_4, %sign3A_7 : i32
    %sign3A_9 = arith.extui %sign3A_8 : i1 to i32
    %sign3A_10 = arith.subi %sign3A_6, %sign3A_9 : i32
    %sign3A_11 = arith.constant 0 : i32
    %sign3A_12 = arith.cmpi sgt, %jit3A, %sign3A_11 : i32
    %sign3A_13 = arith.extui %sign3A_12 : i1 to i32
    %sign3A_14 = arith.constant 0 : i32
    %sign3A_15 = arith.cmpi slt, %jit3A, %sign3A_14 : i32
    %sign3A_16 = arith.extui %sign3A_15 : i1 to i32
    %sign3A_17 = arith.subi %sign3A_13, %sign3A_16 : i32
    %ne3A = arith.cmpi ne, %sign3A_10, %sign3A_17 : i32
    %rem3A = arith.remsi %add3A_4, %jit3A : i32
    %ne3A_18 = arith.constant 0 : i32
    %ne3A_19 = arith.cmpi ne, %rem3A, %ne3A_18 : i32
    %and3A = arith.andi %ne3A, %ne3A_19 : i1
    %sub3A = arith.constant 1 : i32
    %sub3A_20 = arith.subi %div3A, %sub3A : i32
    %select_n3A = arith.select %and3A, %sub3A_20, %div3A : i32
    %multiple_of3A_21 = tpu.assume_multiple %select_n3A, 72 : i32
    %mul3A_22 = arith.constant 64 : i32
    %mul3A_23 = arith.muli %arg1, %mul3A_22 : i32
    %multiple_of3A_24 = tpu.assume_multiple %mul3A_23, 64 : i32
    %dma_start3A = arith.constant 0 : i32
    %dma_start3A_25 = arith.constant 0 : i32
    %dma_start3A_26 = arith.constant 0 : i32
    %dma_start3A_27 = tpu.memref_slice %arg9[%dma_start3A, %dma_start3A_25, %dma_start3A_26] : memref<2x256x96xf32, #tpu.memory_space<vmem>> -> memref<1x256x96xf32, #tpu.memory_space<vmem>>
    %dma_start3A_28 = tpu.memref_squeeze %dma_start3A_27 : memref<1x256x96xf32, #tpu.memory_space<vmem>> -> memref<256x96xf32, #tpu.memory_space<vmem>>
    %dma_start3A_29 = arith.constant 0 : i32
    %dma_start3A_30 = tpu.memref_slice %arg2[%multiple_of3A, %dma_start3A_29] : memref<294912x128xf32, #tpu.memory_space<hbm>> -> memref<256x96xf32, #tpu.memory_space<hbm>>
    %dma_start3A_31 = arith.constant 0 : i32
    %dma_start3A_32 = arith.constant 0 : i32
    %dma_start3A_33 = tpu.memref_slice %arg9[%dma_start3A, %dma_start3A_31, %dma_start3A_32] : memref<2x256x96xf32, #tpu.memory_space<vmem>> -> memref<1x256x96xf32, #tpu.memory_space<vmem>>
    %dma_start3A_34 = tpu.memref_squeeze %dma_start3A_33 : memref<1x256x96xf32, #tpu.memory_space<vmem>> -> memref<256x96xf32, #tpu.memory_space<vmem>>
    %dma_start3A_35 = arith.constant 0 : i32
    %dma_start3A_36 = tpu.memref_slice %arg2[%multiple_of3A, %dma_start3A_35] : memref<294912x128xf32, #tpu.memory_space<hbm>> -> memref<256x96xf32, #tpu.memory_space<hbm>>
    tpu.enqueue_dma source(%dma_start3A_36 : memref<256x96xf32, #tpu.memory_space<hbm>>) target(%dma_start3A_34 : memref<256x96xf32, #tpu.memory_space<vmem>>) target_semaphore(%arg14 : memref<!tpu.dma_semaphore, #tpu.memory_space<semaphore_mem>>)
    %add3A_37 = arith.constant 256 : i32
    %add3A_38 = arith.addi %multiple_of3A, %add3A_37 : i32
    %multiple_of3A_39 = tpu.assume_multiple %add3A_38, 256 : i32
    %dma_start3A_40 = arith.constant 1 : i32
    %dma_start3A_41 = arith.constant 0 : i32
    %dma_start3A_42 = arith.constant 0 : i32
    %dma_start3A_43 = tpu.memref_slice %arg9[%dma_start3A_40, %dma_start3A_41, %dma_start3A_42] : memref<2x256x96xf32, #tpu.memory_space<vmem>> -> memref<1x256x96xf32, #tpu.memory_space<vmem>>
    %dma_start3A_44 = tpu.memref_squeeze %dma_start3A_43 : memref<1x256x96xf32, #tpu.memory_space<vmem>> -> memref<256x96xf32, #tpu.memory_space<vmem>>
    %dma_start3A_45 = arith.constant 0 : i32
    %dma_start3A_46 = tpu.memref_slice %arg2[%multiple_of3A_39, %dma_start3A_45] : memref<294912x128xf32, #tpu.memory_space<hbm>> -> memref<256x96xf32, #tpu.memory_space<hbm>>
    %dma_start3A_47 = arith.constant 0 : i32
    %dma_start3A_48 = arith.constant 0 : i32
    %dma_start3A_49 = tpu.memref_slice %arg9[%dma_start3A_40, %dma_start3A_47, %dma_start3A_48] : memref<2x256x96xf32, #tpu.memory_space<vmem>> -> memref<1x256x96xf32, #tpu.memory_space<vmem>>
    %dma_start3A_50 = tpu.memref_squeeze %dma_start3A_49 : memref<1x256x96xf32, #tpu.memory_space<vmem>> -> memref<256x96xf32, #tpu.memory_space<vmem>>
    %dma_start3A_51 = arith.constant 0 : i32
    %dma_start3A_52 = tpu.memref_slice %arg2[%multiple_of3A_39, %dma_start3A_51] : memref<294912x128xf32, #tpu.memory_space<hbm>> -> memref<256x96xf32, #tpu.memory_space<hbm>>
    tpu.enqueue_dma source(%dma_start3A_52 : memref<256x96xf32, #tpu.memory_space<hbm>>) target(%dma_start3A_50 : memref<256x96xf32, #tpu.memory_space<vmem>>) target_semaphore(%arg15 : memref<!tpu.dma_semaphore, #tpu.memory_space<semaphore_mem>>)
    "tpu.region"() ({
      %run_scoped3A_101 = tpu.sem_alloc : memref<!tpu.dma_semaphore, #tpu.memory_space<semaphore_mem>>
      %dma_start3A_102 = arith.constant 0 : i32
      %dma_start3A_103 = tpu.memref_slice %arg12[%multiple_of3A_24, %dma_start3A_102] : memref<1024x96xf32, #tpu.memory_space<vmem_shared>> -> memref<64x96xf32, #tpu.memory_space<vmem_shared>>
      tpu.enqueue_dma source(%arg4 : memref<64x96xf32, #tpu.memory_space<hbm>>) target(%dma_start3A_103 : memref<64x96xf32, #tpu.memory_space<vmem_shared>>) target_semaphore(%run_scoped3A_101 : memref<!tpu.dma_semaphore, #tpu.memory_space<semaphore_mem>>)
      %dma_wait3A = arith.constant 0 : i32
      %dma_wait3A_104 = tpu.memref_slice %arg12[%multiple_of3A_24, %dma_wait3A] : memref<1024x96xf32, #tpu.memory_space<vmem_shared>> -> memref<64x96xf32, #tpu.memory_space<vmem_shared>>
      tpu.wait_dma2 semaphore(%run_scoped3A_101 : memref<!tpu.dma_semaphore, #tpu.memory_space<semaphore_mem>>) src(%arg4 : memref<64x96xf32, #tpu.memory_space<hbm>>) dst(%dma_wait3A_104 : memref<64x96xf32, #tpu.memory_space<vmem_shared>>)
      tpu.yield
    }) : () -> ()
    "tpu.region"() ({
      %run_scoped3A_101 = tpu.sem_alloc : memref<!tpu.dma_semaphore, #tpu.memory_space<semaphore_mem>>
      %dma_start3A_102 = tpu.memref_slice %arg13[%multiple_of3A_24] : memref<1024xf32, #tpu.memory_space<vmem_shared>> -> memref<64xf32, #tpu.memory_space<vmem_shared>>
      tpu.enqueue_dma source(%arg5 : memref<64xf32, #tpu.memory_space<hbm>>) target(%dma_start3A_102 : memref<64xf32, #tpu.memory_space<vmem_shared>>) target_semaphore(%run_scoped3A_101 : memref<!tpu.dma_semaphore, #tpu.memory_space<semaphore_mem>>)
      %dma_wait3A = tpu.memref_slice %arg13[%multiple_of3A_24] : memref<1024xf32, #tpu.memory_space<vmem_shared>> -> memref<64xf32, #tpu.memory_space<vmem_shared>>
      tpu.wait_dma2 semaphore(%run_scoped3A_101 : memref<!tpu.dma_semaphore, #tpu.memory_space<semaphore_mem>>) src(%arg5 : memref<64xf32, #tpu.memory_space<hbm>>) dst(%dma_wait3A : memref<64xf32, #tpu.memory_space<vmem_shared>>)
      tpu.yield
    }) : () -> ()
    "tpu.region"() ({
      %run_scoped3A_101 = tpu.sem_alloc : memref<!tpu.dma_semaphore, #tpu.memory_space<semaphore_mem>>
      %dma_start3A_102 = arith.constant 0 : i32
      %dma_start3A_103 = tpu.memref_slice %arg3[%multiple_of3A_21, %dma_start3A_102] : memref<4608x128xi32, #tpu.memory_space<hbm>> -> memref<72x128xi32, #tpu.memory_space<hbm>>
      %dma_start3A_104 = arith.constant 0 : i32
      %dma_start3A_105 = tpu.memref_slice %arg3[%multiple_of3A_21, %dma_start3A_104] : memref<4608x128xi32, #tpu.memory_space<hbm>> -> memref<72x128xi32, #tpu.memory_space<hbm>>
      tpu.enqueue_dma source(%dma_start3A_105 : memref<72x128xi32, #tpu.memory_space<hbm>>) target(%arg8 : memref<72x128xi32, #tpu.memory_space<vmem>>) target_semaphore(%run_scoped3A_101 : memref<!tpu.dma_semaphore, #tpu.memory_space<semaphore_mem>>)
      %dma_wait3A = arith.constant 0 : i32
      %dma_wait3A_106 = tpu.memref_slice %arg3[%multiple_of3A_21, %dma_wait3A] : memref<4608x128xi32, #tpu.memory_space<hbm>> -> memref<72x128xi32, #tpu.memory_space<hbm>>
      %dma_wait3A_107 = arith.constant 0 : i32
      %dma_wait3A_108 = tpu.memref_slice %arg3[%multiple_of3A_21, %dma_wait3A_107] : memref<4608x128xi32, #tpu.memory_space<hbm>> -> memref<72x128xi32, #tpu.memory_space<hbm>>
      tpu.wait_dma2 semaphore(%run_scoped3A_101 : memref<!tpu.dma_semaphore, #tpu.memory_space<semaphore_mem>>) src(%dma_wait3A_108 : memref<72x128xi32, #tpu.memory_space<hbm>>) dst(%arg8 : memref<72x128xi32, #tpu.memory_space<vmem>>)
      tpu.yield
    }) : () -> ()
    "tpu.region"() ({
      %run_scoped3A_101 = tpu.sem_alloc : memref<!tpu.dma_semaphore, #tpu.memory_space<semaphore_mem>>
      tpu.enqueue_dma source(%arg6 : memref<128xf32, #tpu.memory_space<hbm>>) target(%arg10 : memref<128xf32, #tpu.memory_space<vmem>>) target_semaphore(%run_scoped3A_101 : memref<!tpu.dma_semaphore, #tpu.memory_space<semaphore_mem>>)
      tpu.wait_dma2 semaphore(%run_scoped3A_101 : memref<!tpu.dma_semaphore, #tpu.memory_space<semaphore_mem>>) src(%arg6 : memref<128xf32, #tpu.memory_space<hbm>>) dst(%arg10 : memref<128xf32, #tpu.memory_space<vmem>>)
      tpu.yield
    }) : () -> ()
    %barrier3A = arith.constant 0 : index
    tpu.barrier barrier_id(%barrier3A)
    %scan3A = arith.constant 0 : i32
    %scan3A_53 = arith.constant 0 : i32
    %scan3A_54 = arith.constant 18 : i32
    %scan3A_55 = arith.addi %scan3A_53, %scan3A_54 : i32
    %scan3A_56 = arith.constant 1 : i32
    scf.for %scan3A_101 = %scan3A_53 to %scan3A_55 step %scan3A_56  : i32 {
      %mul3A_102 = arith.constant 2 : i32
      %mul3A_103 = arith.muli %mul3A_102, %scan3A_101 : i32
      %add3A_104 = arith.constant 0 : i32
      %add3A_105 = arith.addi %mul3A_103, %add3A_104 : i32
      %dma_wait3A = arith.constant 0 : i32
      %dma_wait3A_106 = arith.constant 0 : i32
      %dma_wait3A_107 = arith.constant 0 : i32
      %dma_wait3A_108 = tpu.memref_slice %arg9[%dma_wait3A, %dma_wait3A_106, %dma_wait3A_107] : memref<2x256x96xf32, #tpu.memory_space<vmem>> -> memref<1x256x96xf32, #tpu.memory_space<vmem>>
      %dma_wait3A_109 = tpu.memref_squeeze %dma_wait3A_108 : memref<1x256x96xf32, #tpu.memory_space<vmem>> -> memref<256x96xf32, #tpu.memory_space<vmem>>
      %dma_wait3A_110 = arith.constant 0 : i32
      %dma_wait3A_111 = arith.constant 0 : i32
      %dma_wait3A_112 = tpu.memref_slice %arg2[%dma_wait3A_110, %dma_wait3A_111] : memref<294912x128xf32, #tpu.memory_space<hbm>> -> memref<256x96xf32, #tpu.memory_space<hbm>>
      %dma_wait3A_113 = arith.constant 0 : i32
      %dma_wait3A_114 = arith.constant 0 : i32
      %dma_wait3A_115 = tpu.memref_slice %arg9[%dma_wait3A, %dma_wait3A_113, %dma_wait3A_114] : memref<2x256x96xf32, #tpu.memory_space<vmem>> -> memref<1x256x96xf32, #tpu.memory_space<vmem>>
      %dma_wait3A_116 = tpu.memref_squeeze %dma_wait3A_115 : memref<1x256x96xf32, #tpu.memory_space<vmem>> -> memref<256x96xf32, #tpu.memory_space<vmem>>
      %dma_wait3A_117 = arith.constant 0 : i32
      %dma_wait3A_118 = arith.constant 0 : i32
      %dma_wait3A_119 = tpu.memref_slice %arg2[%dma_wait3A_117, %dma_wait3A_118] : memref<294912x128xf32, #tpu.memory_space<hbm>> -> memref<256x96xf32, #tpu.memory_space<hbm>>
      tpu.wait_dma2 semaphore(%arg14 : memref<!tpu.dma_semaphore, #tpu.memory_space<semaphore_mem>>) src(%dma_wait3A_119 : memref<256x96xf32, #tpu.memory_space<hbm>>) dst(%dma_wait3A_116 : memref<256x96xf32, #tpu.memory_space<vmem>>)
      %mul3A_120 = arith.constant 2 : i32
      %mul3A_121 = arith.muli %add3A_105, %mul3A_120 : i32
      %add3A_122 = arith.constant 0 : i32
      %add3A_123 = arith.addi %mul3A_121, %add3A_122 : i32
      %dma_start3A_124 = arith.constant 0 : i32
      %dma_start3A_125 = arith.constant 0 : i32
      %dma_start3A_126 = arith.constant 0 : i32
      %dma_start3A_127 = tpu.memref_slice %arg9[%dma_start3A_124, %dma_start3A_125, %dma_start3A_126] : memref<2x256x96xf32, #tpu.memory_space<vmem>> -> memref<1x128x96xf32, #tpu.memory_space<vmem>>
      %dma_start3A_128 = tpu.memref_squeeze %dma_start3A_127 : memref<1x128x96xf32, #tpu.memory_space<vmem>> -> memref<128x96xf32, #tpu.memory_space<vmem>>
      %dma_start3A_129 = arith.constant 0 : i32
      %dma_start3A_130 = tpu.memref_slice %arg8[%add3A_123, %dma_start3A_129] : memref<72x128xi32, #tpu.memory_space<vmem>> -> memref<1x128xi32, #tpu.memory_space<vmem>>
      %dma_start3A_131 = tpu.memref_squeeze %dma_start3A_130 : memref<1x128xi32, #tpu.memory_space<vmem>> -> memref<128xi32, #tpu.memory_space<vmem>>
      %dma_start3A_132 = arith.constant 0 : i32
      %dma_start3A_133 = arith.constant 0 : i32
      %dma_start3A_134 = tpu.memref_slice %arg12[%dma_start3A_132, %dma_start3A_133] : memref<1024x96xf32, #tpu.memory_space<vmem_shared>> -> memref<1024x96xf32, #tpu.memory_space<vmem_shared>>
      tpu.enqueue_indirect_dma source(%dma_start3A_128 : memref<128x96xf32, #tpu.memory_space<vmem>>) target(%dma_start3A_134 : memref<1024x96xf32, #tpu.memory_space<vmem_shared>>) offsets(%dma_start3A_131 : memref<128xi32, #tpu.memory_space<vmem>>) semaphore(%arg16 : memref<!tpu.dma_semaphore, #tpu.memory_space<semaphore_mem>>) {add = true}
      %dma_start3A_135 = arith.constant 0 : i32
      %dma_start3A_136 = tpu.memref_slice %arg8[%add3A_123, %dma_start3A_135] : memref<72x128xi32, #tpu.memory_space<vmem>> -> memref<1x128xi32, #tpu.memory_space<vmem>>
      %dma_start3A_137 = tpu.memref_squeeze %dma_start3A_136 : memref<1x128xi32, #tpu.memory_space<vmem>> -> memref<128xi32, #tpu.memory_space<vmem>>
      %dma_start3A_138 = arith.constant 0 : i32
      %dma_start3A_139 = tpu.memref_slice %arg13[%dma_start3A_138] : memref<1024xf32, #tpu.memory_space<vmem_shared>> -> memref<1024xf32, #tpu.memory_space<vmem_shared>>
      tpu.enqueue_indirect_dma source(%arg10 : memref<128xf32, #tpu.memory_space<vmem>>) target(%dma_start3A_139 : memref<1024xf32, #tpu.memory_space<vmem_shared>>) offsets(%dma_start3A_137 : memref<128xi32, #tpu.memory_space<vmem>>) semaphore(%arg16 : memref<!tpu.dma_semaphore, #tpu.memory_space<semaphore_mem>>) {add = true}
      %mul3A_140 = arith.constant 2 : i32
      %mul3A_141 = arith.muli %add3A_105, %mul3A_140 : i32
      %add3A_142 = arith.constant 1 : i32
      %add3A_143 = arith.addi %mul3A_141, %add3A_142 : i32
      %dma_start3A_144 = arith.constant 0 : i32
      %dma_start3A_145 = arith.constant 128 : i32
      %dma_start3A_146 = arith.constant 0 : i32
      %dma_start3A_147 = tpu.memref_slice %arg9[%dma_start3A_144, %dma_start3A_145, %dma_start3A_146] : memref<2x256x96xf32, #tpu.memory_space<vmem>> -> memref<1x128x96xf32, #tpu.memory_space<vmem>>
      %dma_start3A_148 = tpu.memref_squeeze %dma_start3A_147 : memref<1x128x96xf32, #tpu.memory_space<vmem>> -> memref<128x96xf32, #tpu.memory_space<vmem>>
      %dma_start3A_149 = arith.constant 0 : i32
      %dma_start3A_150 = tpu.memref_slice %arg8[%add3A_143, %dma_start3A_149] : memref<72x128xi32, #tpu.memory_space<vmem>> -> memref<1x128xi32, #tpu.memory_space<vmem>>
      %dma_start3A_151 = tpu.memref_squeeze %dma_start3A_150 : memref<1x128xi32, #tpu.memory_space<vmem>> -> memref<128xi32, #tpu.memory_space<vmem>>
      %dma_start3A_152 = arith.constant 0 : i32
      %dma_start3A_153 = arith.constant 0 : i32
      %dma_start3A_154 = tpu.memref_slice %arg12[%dma_start3A_152, %dma_start3A_153] : memref<1024x96xf32, #tpu.memory_space<vmem_shared>> -> memref<1024x96xf32, #tpu.memory_space<vmem_shared>>
      tpu.enqueue_indirect_dma source(%dma_start3A_148 : memref<128x96xf32, #tpu.memory_space<vmem>>) target(%dma_start3A_154 : memref<1024x96xf32, #tpu.memory_space<vmem_shared>>) offsets(%dma_start3A_151 : memref<128xi32, #tpu.memory_space<vmem>>) semaphore(%arg16 : memref<!tpu.dma_semaphore, #tpu.memory_space<semaphore_mem>>) {add = true}
      %dma_start3A_155 = arith.constant 0 : i32
      %dma_start3A_156 = tpu.memref_slice %arg8[%add3A_143, %dma_start3A_155] : memref<72x128xi32, #tpu.memory_space<vmem>> -> memref<1x128xi32, #tpu.memory_space<vmem>>
      %dma_start3A_157 = tpu.memref_squeeze %dma_start3A_156 : memref<1x128xi32, #tpu.memory_space<vmem>> -> memref<128xi32, #tpu.memory_space<vmem>>
      %dma_start3A_158 = arith.constant 0 : i32
      %dma_start3A_159 = tpu.memref_slice %arg13[%dma_start3A_158] : memref<1024xf32, #tpu.memory_space<vmem_shared>> -> memref<1024xf32, #tpu.memory_space<vmem_shared>>
      tpu.enqueue_indirect_dma source(%arg10 : memref<128xf32, #tpu.memory_space<vmem>>) target(%dma_start3A_159 : memref<1024xf32, #tpu.memory_space<vmem_shared>>) offsets(%dma_start3A_157 : memref<128xi32, #tpu.memory_space<vmem>>) semaphore(%arg16 : memref<!tpu.dma_semaphore, #tpu.memory_space<semaphore_mem>>) {add = true}
      %dma_wait3A_160 = arith.constant 0 : i32
      %dma_wait3A_161 = arith.constant 0 : i32
      %dma_wait3A_162 = arith.constant 0 : i32
      %dma_wait3A_163 = tpu.memref_slice %arg9[%dma_wait3A_160, %dma_wait3A_161, %dma_wait3A_162] : memref<2x256x96xf32, #tpu.memory_space<vmem>> -> memref<1x128x96xf32, #tpu.memory_space<vmem>>
      %dma_wait3A_164 = tpu.memref_squeeze %dma_wait3A_163 : memref<1x128x96xf32, #tpu.memory_space<vmem>> -> memref<128x96xf32, #tpu.memory_space<vmem>>
      %dma_wait3A_165 = arith.constant 0 : i32
      %dma_wait3A_166 = tpu.memref_slice %arg8[%add3A_123, %dma_wait3A_165] : memref<72x128xi32, #tpu.memory_space<vmem>> -> memref<1x128xi32, #tpu.memory_space<vmem>>
      %dma_wait3A_167 = tpu.memref_squeeze %dma_wait3A_166 : memref<1x128xi32, #tpu.memory_space<vmem>> -> memref<128xi32, #tpu.memory_space<vmem>>
      %dma_wait3A_168 = arith.constant 0 : i32
      %dma_wait3A_169 = arith.constant 0 : i32
      %dma_wait3A_170 = tpu.memref_slice %arg12[%dma_wait3A_168, %dma_wait3A_169] : memref<1024x96xf32, #tpu.memory_space<vmem_shared>> -> memref<1024x96xf32, #tpu.memory_space<vmem_shared>>
      tpu.wait_indirect_dma semaphore(%arg16 : memref<!tpu.dma_semaphore, #tpu.memory_space<semaphore_mem>>) src(%dma_wait3A_164 : memref<128x96xf32, #tpu.memory_space<vmem>>) dst(%dma_wait3A_170 : memref<1024x96xf32, #tpu.memory_space<vmem_shared>>)
      %dma_wait3A_171 = arith.constant 0 : i32
      %dma_wait3A_172 = tpu.memref_slice %arg8[%add3A_123, %dma_wait3A_171] : memref<72x128xi32, #tpu.memory_space<vmem>> -> memref<1x128xi32, #tpu.memory_space<vmem>>
      %dma_wait3A_173 = tpu.memref_squeeze %dma_wait3A_172 : memref<1x128xi32, #tpu.memory_space<vmem>> -> memref<128xi32, #tpu.memory_space<vmem>>
      %dma_wait3A_174 = arith.constant 0 : i32
      %dma_wait3A_175 = tpu.memref_slice %arg13[%dma_wait3A_174] : memref<1024xf32, #tpu.memory_space<vmem_shared>> -> memref<1024xf32, #tpu.memory_space<vmem_shared>>
      tpu.wait_indirect_dma semaphore(%arg16 : memref<!tpu.dma_semaphore, #tpu.memory_space<semaphore_mem>>) src(%arg10 : memref<128xf32, #tpu.memory_space<vmem>>) dst(%dma_wait3A_175 : memref<1024xf32, #tpu.memory_space<vmem_shared>>)
      %dma_wait3A_176 = arith.constant 0 : i32
      %dma_wait3A_177 = arith.constant 128 : i32
      %dma_wait3A_178 = arith.constant 0 : i32
      %dma_wait3A_179 = tpu.memref_slice %arg9[%dma_wait3A_176, %dma_wait3A_177, %dma_wait3A_178] : memref<2x256x96xf32, #tpu.memory_space<vmem>> -> memref<1x128x96xf32, #tpu.memory_space<vmem>>
      %dma_wait3A_180 = tpu.memref_squeeze %dma_wait3A_179 : memref<1x128x96xf32, #tpu.memory_space<vmem>> -> memref<128x96xf32, #tpu.memory_space<vmem>>
      %dma_wait3A_181 = arith.constant 0 : i32
      %dma_wait3A_182 = tpu.memref_slice %arg8[%add3A_143, %dma_wait3A_181] : memref<72x128xi32, #tpu.memory_space<vmem>> -> memref<1x128xi32, #tpu.memory_space<vmem>>
      %dma_wait3A_183 = tpu.memref_squeeze %dma_wait3A_182 : memref<1x128xi32, #tpu.memory_space<vmem>> -> memref<128xi32, #tpu.memory_space<vmem>>
      %dma_wait3A_184 = arith.constant 0 : i32
      %dma_wait3A_185 = arith.constant 0 : i32
      %dma_wait3A_186 = tpu.memref_slice %arg12[%dma_wait3A_184, %dma_wait3A_185] : memref<1024x96xf32, #tpu.memory_space<vmem_shared>> -> memref<1024x96xf32, #tpu.memory_space<vmem_shared>>
      tpu.wait_indirect_dma semaphore(%arg16 : memref<!tpu.dma_semaphore, #tpu.memory_space<semaphore_mem>>) src(%dma_wait3A_180 : memref<128x96xf32, #tpu.memory_space<vmem>>) dst(%dma_wait3A_186 : memref<1024x96xf32, #tpu.memory_space<vmem_shared>>)
      %dma_wait3A_187 = arith.constant 0 : i32
      %dma_wait3A_188 = tpu.memref_slice %arg8[%add3A_143, %dma_wait3A_187] : memref<72x128xi32, #tpu.memory_space<vmem>> -> memref<1x128xi32, #tpu.memory_space<vmem>>
      %dma_wait3A_189 = tpu.memref_squeeze %dma_wait3A_188 : memref<1x128xi32, #tpu.memory_space<vmem>> -> memref<128xi32, #tpu.memory_space<vmem>>
      %dma_wait3A_190 = arith.constant 0 : i32
      %dma_wait3A_191 = tpu.memref_slice %arg13[%dma_wait3A_190] : memref<1024xf32, #tpu.memory_space<vmem_shared>> -> memref<1024xf32, #tpu.memory_space<vmem_shared>>
      tpu.wait_indirect_dma semaphore(%arg16 : memref<!tpu.dma_semaphore, #tpu.memory_space<semaphore_mem>>) src(%arg10 : memref<128xf32, #tpu.memory_space<vmem>>) dst(%dma_wait3A_191 : memref<1024xf32, #tpu.memory_space<vmem_shared>>)
      %add3A_192 = arith.constant 2 : i32
      %add3A_193 = arith.addi %add3A_105, %add3A_192 : i32
      %lt3A = arith.constant 36 : i32
      %lt3A_194 = arith.cmpi slt, %add3A_193, %lt3A : i32
      %convert_element_type3A = arith.extui %lt3A_194 : i1 to i32
      %cond3A = arith.constant 0 : i32
      %cond3A_195 = arith.cmpi ne, %convert_element_type3A, %cond3A : i32
      scf.if %cond3A_195 {
        %add3A_294 = arith.constant 2 : i32
        %add3A_295 = arith.addi %add3A_105, %add3A_294 : i32
        %mul3A_296 = arith.constant 256 : i32
        %mul3A_297 = arith.muli %add3A_295, %mul3A_296 : i32
        %add3A_298 = arith.addi %multiple_of3A, %mul3A_297 : i32
        %multiple_of3A_299 = tpu.assume_multiple %add3A_298, 256 : i32
        %dma_start3A_300 = arith.constant 0 : i32
        %dma_start3A_301 = arith.constant 0 : i32
        %dma_start3A_302 = arith.constant 0 : i32
        %dma_start3A_303 = tpu.memref_slice %arg9[%dma_start3A_300, %dma_start3A_301, %dma_start3A_302] : memref<2x256x96xf32, #tpu.memory_space<vmem>> -> memref<1x256x96xf32, #tpu.memory_space<vmem>>
        %dma_start3A_304 = tpu.memref_squeeze %dma_start3A_303 : memref<1x256x96xf32, #tpu.memory_space<vmem>> -> memref<256x96xf32, #tpu.memory_space<vmem>>
        %dma_start3A_305 = arith.constant 0 : i32
        %dma_start3A_306 = tpu.memref_slice %arg2[%multiple_of3A_299, %dma_start3A_305] : memref<294912x128xf32, #tpu.memory_space<hbm>> -> memref<256x96xf32, #tpu.memory_space<hbm>>
        %dma_start3A_307 = arith.constant 0 : i32
        %dma_start3A_308 = arith.constant 0 : i32
        %dma_start3A_309 = tpu.memref_slice %arg9[%dma_start3A_300, %dma_start3A_307, %dma_start3A_308] : memref<2x256x96xf32, #tpu.memory_space<vmem>> -> memref<1x256x96xf32, #tpu.memory_space<vmem>>
        %dma_start3A_310 = tpu.memref_squeeze %dma_start3A_309 : memref<1x256x96xf32, #tpu.memory_space<vmem>> -> memref<256x96xf32, #tpu.memory_space<vmem>>
        %dma_start3A_311 = arith.constant 0 : i32
        %dma_start3A_312 = tpu.memref_slice %arg2[%multiple_of3A_299, %dma_start3A_311] : memref<294912x128xf32, #tpu.memory_space<hbm>> -> memref<256x96xf32, #tpu.memory_space<hbm>>
        tpu.enqueue_dma source(%dma_start3A_312 : memref<256x96xf32, #tpu.memory_space<hbm>>) target(%dma_start3A_310 : memref<256x96xf32, #tpu.memory_space<vmem>>) target_semaphore(%arg14 : memref<!tpu.dma_semaphore, #tpu.memory_space<semaphore_mem>>)
      } else {
      }
      %mul3A_196 = arith.constant 2 : i32
      %mul3A_197 = arith.muli %mul3A_196, %scan3A_101 : i32
      %add3A_198 = arith.constant 1 : i32
      %add3A_199 = arith.addi %mul3A_197, %add3A_198 : i32
      %dma_wait3A_200 = arith.constant 1 : i32
      %dma_wait3A_201 = arith.constant 0 : i32
      %dma_wait3A_202 = arith.constant 0 : i32
      %dma_wait3A_203 = tpu.memref_slice %arg9[%dma_wait3A_200, %dma_wait3A_201, %dma_wait3A_202] : memref<2x256x96xf32, #tpu.memory_space<vmem>> -> memref<1x256x96xf32, #tpu.memory_space<vmem>>
      %dma_wait3A_204 = tpu.memref_squeeze %dma_wait3A_203 : memref<1x256x96xf32, #tpu.memory_space<vmem>> -> memref<256x96xf32, #tpu.memory_space<vmem>>
      %dma_wait3A_205 = arith.constant 0 : i32
      %dma_wait3A_206 = arith.constant 0 : i32
      %dma_wait3A_207 = tpu.memref_slice %arg2[%dma_wait3A_205, %dma_wait3A_206] : memref<294912x128xf32, #tpu.memory_space<hbm>> -> memref<256x96xf32, #tpu.memory_space<hbm>>
      %dma_wait3A_208 = arith.constant 0 : i32
      %dma_wait3A_209 = arith.constant 0 : i32
      %dma_wait3A_210 = tpu.memref_slice %arg9[%dma_wait3A_200, %dma_wait3A_208, %dma_wait3A_209] : memref<2x256x96xf32, #tpu.memory_space<vmem>> -> memref<1x256x96xf32, #tpu.memory_space<vmem>>
      %dma_wait3A_211 = tpu.memref_squeeze %dma_wait3A_210 : memref<1x256x96xf32, #tpu.memory_space<vmem>> -> memref<256x96xf32, #tpu.memory_space<vmem>>
      %dma_wait3A_212 = arith.constant 0 : i32
      %dma_wait3A_213 = arith.constant 0 : i32
      %dma_wait3A_214 = tpu.memref_slice %arg2[%dma_wait3A_212, %dma_wait3A_213] : memref<294912x128xf32, #tpu.memory_space<hbm>> -> memref<256x96xf32, #tpu.memory_space<hbm>>
      tpu.wait_dma2 semaphore(%arg15 : memref<!tpu.dma_semaphore, #tpu.memory_space<semaphore_mem>>) src(%dma_wait3A_214 : memref<256x96xf32, #tpu.memory_space<hbm>>) dst(%dma_wait3A_211 : memref<256x96xf32, #tpu.memory_space<vmem>>)
      %mul3A_215 = arith.constant 2 : i32
      %mul3A_216 = arith.muli %add3A_199, %mul3A_215 : i32
      %add3A_217 = arith.constant 0 : i32
      %add3A_218 = arith.addi %mul3A_216, %add3A_217 : i32
      %dma_start3A_219 = arith.constant 1 : i32
      %dma_start3A_220 = arith.constant 0 : i32
      %dma_start3A_221 = arith.constant 0 : i32
      %dma_start3A_222 = tpu.memref_slice %arg9[%dma_start3A_219, %dma_start3A_220, %dma_start3A_221] : memref<2x256x96xf32, #tpu.memory_space<vmem>> -> memref<1x128x96xf32, #tpu.memory_space<vmem>>
      %dma_start3A_223 = tpu.memref_squeeze %dma_start3A_222 : memref<1x128x96xf32, #tpu.memory_space<vmem>> -> memref<128x96xf32, #tpu.memory_space<vmem>>
      %dma_start3A_224 = arith.constant 0 : i32
      %dma_start3A_225 = tpu.memref_slice %arg8[%add3A_218, %dma_start3A_224] : memref<72x128xi32, #tpu.memory_space<vmem>> -> memref<1x128xi32, #tpu.memory_space<vmem>>
      %dma_start3A_226 = tpu.memref_squeeze %dma_start3A_225 : memref<1x128xi32, #tpu.memory_space<vmem>> -> memref<128xi32, #tpu.memory_space<vmem>>
      %dma_start3A_227 = arith.constant 0 : i32
      %dma_start3A_228 = arith.constant 0 : i32
      %dma_start3A_229 = tpu.memref_slice %arg12[%dma_start3A_227, %dma_start3A_228] : memref<1024x96xf32, #tpu.memory_space<vmem_shared>> -> memref<1024x96xf32, #tpu.memory_space<vmem_shared>>
      tpu.enqueue_indirect_dma source(%dma_start3A_223 : memref<128x96xf32, #tpu.memory_space<vmem>>) target(%dma_start3A_229 : memref<1024x96xf32, #tpu.memory_space<vmem_shared>>) offsets(%dma_start3A_226 : memref<128xi32, #tpu.memory_space<vmem>>) semaphore(%arg17 : memref<!tpu.dma_semaphore, #tpu.memory_space<semaphore_mem>>) {add = true}
      %dma_start3A_230 = arith.constant 0 : i32
      %dma_start3A_231 = tpu.memref_slice %arg8[%add3A_218, %dma_start3A_230] : memref<72x128xi32, #tpu.memory_space<vmem>> -> memref<1x128xi32, #tpu.memory_space<vmem>>
      %dma_start3A_232 = tpu.memref_squeeze %dma_start3A_231 : memref<1x128xi32, #tpu.memory_space<vmem>> -> memref<128xi32, #tpu.memory_space<vmem>>
      %dma_start3A_233 = arith.constant 0 : i32
      %dma_start3A_234 = tpu.memref_slice %arg13[%dma_start3A_233] : memref<1024xf32, #tpu.memory_space<vmem_shared>> -> memref<1024xf32, #tpu.memory_space<vmem_shared>>
      tpu.enqueue_indirect_dma source(%arg10 : memref<128xf32, #tpu.memory_space<vmem>>) target(%dma_start3A_234 : memref<1024xf32, #tpu.memory_space<vmem_shared>>) offsets(%dma_start3A_232 : memref<128xi32, #tpu.memory_space<vmem>>) semaphore(%arg17 : memref<!tpu.dma_semaphore, #tpu.memory_space<semaphore_mem>>) {add = true}
      %mul3A_235 = arith.constant 2 : i32
      %mul3A_236 = arith.muli %add3A_199, %mul3A_235 : i32
      %add3A_237 = arith.constant 1 : i32
      %add3A_238 = arith.addi %mul3A_236, %add3A_237 : i32
      %dma_start3A_239 = arith.constant 1 : i32
      %dma_start3A_240 = arith.constant 128 : i32
      %dma_start3A_241 = arith.constant 0 : i32
      %dma_start3A_242 = tpu.memref_slice %arg9[%dma_start3A_239, %dma_start3A_240, %dma_start3A_241] : memref<2x256x96xf32, #tpu.memory_space<vmem>> -> memref<1x128x96xf32, #tpu.memory_space<vmem>>
      %dma_start3A_243 = tpu.memref_squeeze %dma_start3A_242 : memref<1x128x96xf32, #tpu.memory_space<vmem>> -> memref<128x96xf32, #tpu.memory_space<vmem>>
      %dma_start3A_244 = arith.constant 0 : i32
      %dma_start3A_245 = tpu.memref_slice %arg8[%add3A_238, %dma_start3A_244] : memref<72x128xi32, #tpu.memory_space<vmem>> -> memref<1x128xi32, #tpu.memory_space<vmem>>
      %dma_start3A_246 = tpu.memref_squeeze %dma_start3A_245 : memref<1x128xi32, #tpu.memory_space<vmem>> -> memref<128xi32, #tpu.memory_space<vmem>>
      %dma_start3A_247 = arith.constant 0 : i32
      %dma_start3A_248 = arith.constant 0 : i32
      %dma_start3A_249 = tpu.memref_slice %arg12[%dma_start3A_247, %dma_start3A_248] : memref<1024x96xf32, #tpu.memory_space<vmem_shared>> -> memref<1024x96xf32, #tpu.memory_space<vmem_shared>>
      tpu.enqueue_indirect_dma source(%dma_start3A_243 : memref<128x96xf32, #tpu.memory_space<vmem>>) target(%dma_start3A_249 : memref<1024x96xf32, #tpu.memory_space<vmem_shared>>) offsets(%dma_start3A_246 : memref<128xi32, #tpu.memory_space<vmem>>) semaphore(%arg17 : memref<!tpu.dma_semaphore, #tpu.memory_space<semaphore_mem>>) {add = true}
      %dma_start3A_250 = arith.constant 0 : i32
      %dma_start3A_251 = tpu.memref_slice %arg8[%add3A_238, %dma_start3A_250] : memref<72x128xi32, #tpu.memory_space<vmem>> -> memref<1x128xi32, #tpu.memory_space<vmem>>
      %dma_start3A_252 = tpu.memref_squeeze %dma_start3A_251 : memref<1x128xi32, #tpu.memory_space<vmem>> -> memref<128xi32, #tpu.memory_space<vmem>>
      %dma_start3A_253 = arith.constant 0 : i32
      %dma_start3A_254 = tpu.memref_slice %arg13[%dma_start3A_253] : memref<1024xf32, #tpu.memory_space<vmem_shared>> -> memref<1024xf32, #tpu.memory_space<vmem_shared>>
      tpu.enqueue_indirect_dma source(%arg10 : memref<128xf32, #tpu.memory_space<vmem>>) target(%dma_start3A_254 : memref<1024xf32, #tpu.memory_space<vmem_shared>>) offsets(%dma_start3A_252 : memref<128xi32, #tpu.memory_space<vmem>>) semaphore(%arg17 : memref<!tpu.dma_semaphore, #tpu.memory_space<semaphore_mem>>) {add = true}
      %dma_wait3A_255 = arith.constant 1 : i32
      %dma_wait3A_256 = arith.constant 0 : i32
      %dma_wait3A_257 = arith.constant 0 : i32
      %dma_wait3A_258 = tpu.memref_slice %arg9[%dma_wait3A_255, %dma_wait3A_256, %dma_wait3A_257] : memref<2x256x96xf32, #tpu.memory_space<vmem>> -> memref<1x128x96xf32, #tpu.memory_space<vmem>>
      %dma_wait3A_259 = tpu.memref_squeeze %dma_wait3A_258 : memref<1x128x96xf32, #tpu.memory_space<vmem>> -> memref<128x96xf32, #tpu.memory_space<vmem>>
      %dma_wait3A_260 = arith.constant 0 : i32
      %dma_wait3A_261 = tpu.memref_slice %arg8[%add3A_218, %dma_wait3A_260] : memref<72x128xi32, #tpu.memory_space<vmem>> -> memref<1x128xi32, #tpu.memory_space<vmem>>
      %dma_wait3A_262 = tpu.memref_squeeze %dma_wait3A_261 : memref<1x128xi32, #tpu.memory_space<vmem>> -> memref<128xi32, #tpu.memory_space<vmem>>
      %dma_wait3A_263 = arith.constant 0 : i32
      %dma_wait3A_264 = arith.constant 0 : i32
      %dma_wait3A_265 = tpu.memref_slice %arg12[%dma_wait3A_263, %dma_wait3A_264] : memref<1024x96xf32, #tpu.memory_space<vmem_shared>> -> memref<1024x96xf32, #tpu.memory_space<vmem_shared>>
      tpu.wait_indirect_dma semaphore(%arg17 : memref<!tpu.dma_semaphore, #tpu.memory_space<semaphore_mem>>) src(%dma_wait3A_259 : memref<128x96xf32, #tpu.memory_space<vmem>>) dst(%dma_wait3A_265 : memref<1024x96xf32, #tpu.memory_space<vmem_shared>>)
      %dma_wait3A_266 = arith.constant 0 : i32
      %dma_wait3A_267 = tpu.memref_slice %arg8[%add3A_218, %dma_wait3A_266] : memref<72x128xi32, #tpu.memory_space<vmem>> -> memref<1x128xi32, #tpu.memory_space<vmem>>
      %dma_wait3A_268 = tpu.memref_squeeze %dma_wait3A_267 : memref<1x128xi32, #tpu.memory_space<vmem>> -> memref<128xi32, #tpu.memory_space<vmem>>
      %dma_wait3A_269 = arith.constant 0 : i32
      %dma_wait3A_270 = tpu.memref_slice %arg13[%dma_wait3A_269] : memref<1024xf32, #tpu.memory_space<vmem_shared>> -> memref<1024xf32, #tpu.memory_space<vmem_shared>>
      tpu.wait_indirect_dma semaphore(%arg17 : memref<!tpu.dma_semaphore, #tpu.memory_space<semaphore_mem>>) src(%arg10 : memref<128xf32, #tpu.memory_space<vmem>>) dst(%dma_wait3A_270 : memref<1024xf32, #tpu.memory_space<vmem_shared>>)
      %dma_wait3A_271 = arith.constant 1 : i32
      %dma_wait3A_272 = arith.constant 128 : i32
      %dma_wait3A_273 = arith.constant 0 : i32
      %dma_wait3A_274 = tpu.memref_slice %arg9[%dma_wait3A_271, %dma_wait3A_272, %dma_wait3A_273] : memref<2x256x96xf32, #tpu.memory_space<vmem>> -> memref<1x128x96xf32, #tpu.memory_space<vmem>>
      %dma_wait3A_275 = tpu.memref_squeeze %dma_wait3A_274 : memref<1x128x96xf32, #tpu.memory_space<vmem>> -> memref<128x96xf32, #tpu.memory_space<vmem>>
      %dma_wait3A_276 = arith.constant 0 : i32
      %dma_wait3A_277 = tpu.memref_slice %arg8[%add3A_238, %dma_wait3A_276] : memref<72x128xi32, #tpu.memory_space<vmem>> -> memref<1x128xi32, #tpu.memory_space<vmem>>
      %dma_wait3A_278 = tpu.memref_squeeze %dma_wait3A_277 : memref<1x128xi32, #tpu.memory_space<vmem>> -> memref<128xi32, #tpu.memory_space<vmem>>
      %dma_wait3A_279 = arith.constant 0 : i32
      %dma_wait3A_280 = arith.constant 0 : i32
      %dma_wait3A_281 = tpu.memref_slice %arg12[%dma_wait3A_279, %dma_wait3A_280] : memref<1024x96xf32, #tpu.memory_space<vmem_shared>> -> memref<1024x96xf32, #tpu.memory_space<vmem_shared>>
      tpu.wait_indirect_dma semaphore(%arg17 : memref<!tpu.dma_semaphore, #tpu.memory_space<semaphore_mem>>) src(%dma_wait3A_275 : memref<128x96xf32, #tpu.memory_space<vmem>>) dst(%dma_wait3A_281 : memref<1024x96xf32, #tpu.memory_space<vmem_shared>>)
      %dma_wait3A_282 = arith.constant 0 : i32
      %dma_wait3A_283 = tpu.memref_slice %arg8[%add3A_238, %dma_wait3A_282] : memref<72x128xi32, #tpu.memory_space<vmem>> -> memref<1x128xi32, #tpu.memory_space<vmem>>
      %dma_wait3A_284 = tpu.memref_squeeze %dma_wait3A_283 : memref<1x128xi32, #tpu.memory_space<vmem>> -> memref<128xi32, #tpu.memory_space<vmem>>
      %dma_wait3A_285 = arith.constant 0 : i32
      %dma_wait3A_286 = tpu.memref_slice %arg13[%dma_wait3A_285] : memref<1024xf32, #tpu.memory_space<vmem_shared>> -> memref<1024xf32, #tpu.memory_space<vmem_shared>>
      tpu.wait_indirect_dma semaphore(%arg17 : memref<!tpu.dma_semaphore, #tpu.memory_space<semaphore_mem>>) src(%arg10 : memref<128xf32, #tpu.memory_space<vmem>>) dst(%dma_wait3A_286 : memref<1024xf32, #tpu.memory_space<vmem_shared>>)
      %add3A_287 = arith.constant 2 : i32
      %add3A_288 = arith.addi %add3A_199, %add3A_287 : i32
      %lt3A_289 = arith.constant 36 : i32
      %lt3A_290 = arith.cmpi slt, %add3A_288, %lt3A_289 : i32
      %convert_element_type3A_291 = arith.extui %lt3A_290 : i1 to i32
      %cond3A_292 = arith.constant 0 : i32
      %cond3A_293 = arith.cmpi ne, %convert_element_type3A_291, %cond3A_292 : i32
      scf.if %cond3A_293 {
        %add3A_294 = arith.constant 2 : i32
        %add3A_295 = arith.addi %add3A_199, %add3A_294 : i32
        %mul3A_296 = arith.constant 256 : i32
        %mul3A_297 = arith.muli %add3A_295, %mul3A_296 : i32
        %add3A_298 = arith.addi %multiple_of3A, %mul3A_297 : i32
        %multiple_of3A_299 = tpu.assume_multiple %add3A_298, 256 : i32
        %dma_start3A_300 = arith.constant 1 : i32
        %dma_start3A_301 = arith.constant 0 : i32
        %dma_start3A_302 = arith.constant 0 : i32
        %dma_start3A_303 = tpu.memref_slice %arg9[%dma_start3A_300, %dma_start3A_301, %dma_start3A_302] : memref<2x256x96xf32, #tpu.memory_space<vmem>> -> memref<1x256x96xf32, #tpu.memory_space<vmem>>
        %dma_start3A_304 = tpu.memref_squeeze %dma_start3A_303 : memref<1x256x96xf32, #tpu.memory_space<vmem>> -> memref<256x96xf32, #tpu.memory_space<vmem>>
        %dma_start3A_305 = arith.constant 0 : i32
        %dma_start3A_306 = tpu.memref_slice %arg2[%multiple_of3A_299, %dma_start3A_305] : memref<294912x128xf32, #tpu.memory_space<hbm>> -> memref<256x96xf32, #tpu.memory_space<hbm>>
        %dma_start3A_307 = arith.constant 0 : i32
        %dma_start3A_308 = arith.constant 0 : i32
        %dma_start3A_309 = tpu.memref_slice %arg9[%dma_start3A_300, %dma_start3A_307, %dma_start3A_308] : memref<2x256x96xf32, #tpu.memory_space<vmem>> -> memref<1x256x96xf32, #tpu.memory_space<vmem>>
        %dma_start3A_310 = tpu.memref_squeeze %dma_start3A_309 : memref<1x256x96xf32, #tpu.memory_space<vmem>> -> memref<256x96xf32, #tpu.memory_space<vmem>>
        %dma_start3A_311 = arith.constant 0 : i32
        %dma_start3A_312 = tpu.memref_slice %arg2[%multiple_of3A_299, %dma_start3A_311] : memref<294912x128xf32, #tpu.memory_space<hbm>> -> memref<256x96xf32, #tpu.memory_space<hbm>>
        tpu.enqueue_dma source(%dma_start3A_312 : memref<256x96xf32, #tpu.memory_space<hbm>>) target(%dma_start3A_310 : memref<256x96xf32, #tpu.memory_space<vmem>>) target_semaphore(%arg15 : memref<!tpu.dma_semaphore, #tpu.memory_space<semaphore_mem>>)
      } else {
      }
    }
    %scan3A_57 = arith.constant 18 : i32
    %barrier3A_58 = arith.constant 0 : index
    tpu.barrier barrier_id(%barrier3A_58)
    "tpu.region"() ({
      %run_scoped3A_101 = tpu.sem_alloc : memref<!tpu.dma_semaphore, #tpu.memory_space<semaphore_mem>>
      %dma_start3A_102 = arith.constant 0 : i32
      %dma_start3A_103 = tpu.memref_slice %arg11[%dma_start3A_102] : memref<80xf32, #tpu.memory_space<vmem>> -> memref<64xf32, #tpu.memory_space<vmem>>
      %dma_start3A_104 = tpu.memref_slice %arg13[%multiple_of3A_24] : memref<1024xf32, #tpu.memory_space<vmem_shared>> -> memref<64xf32, #tpu.memory_space<vmem_shared>>
      %dma_start3A_105 = arith.constant 0 : i32
      %dma_start3A_106 = tpu.memref_slice %arg11[%dma_start3A_105] : memref<80xf32, #tpu.memory_space<vmem>> -> memref<64xf32, #tpu.memory_space<vmem>>
      %dma_start3A_107 = tpu.memref_slice %arg13[%multiple_of3A_24] : memref<1024xf32, #tpu.memory_space<vmem_shared>> -> memref<64xf32, #tpu.memory_space<vmem_shared>>
      tpu.enqueue_dma source(%dma_start3A_107 : memref<64xf32, #tpu.memory_space<vmem_shared>>) target(%dma_start3A_106 : memref<64xf32, #tpu.memory_space<vmem>>) target_semaphore(%run_scoped3A_101 : memref<!tpu.dma_semaphore, #tpu.memory_space<semaphore_mem>>)
      %dma_wait3A = arith.constant 0 : i32
      %dma_wait3A_108 = tpu.memref_slice %arg11[%dma_wait3A] : memref<80xf32, #tpu.memory_space<vmem>> -> memref<64xf32, #tpu.memory_space<vmem>>
      %dma_wait3A_109 = tpu.memref_slice %arg13[%multiple_of3A_24] : memref<1024xf32, #tpu.memory_space<vmem_shared>> -> memref<64xf32, #tpu.memory_space<vmem_shared>>
      %dma_wait3A_110 = arith.constant 0 : i32
      %dma_wait3A_111 = tpu.memref_slice %arg11[%dma_wait3A_110] : memref<80xf32, #tpu.memory_space<vmem>> -> memref<64xf32, #tpu.memory_space<vmem>>
      %dma_wait3A_112 = tpu.memref_slice %arg13[%multiple_of3A_24] : memref<1024xf32, #tpu.memory_space<vmem_shared>> -> memref<64xf32, #tpu.memory_space<vmem_shared>>
      tpu.wait_dma2 semaphore(%run_scoped3A_101 : memref<!tpu.dma_semaphore, #tpu.memory_space<semaphore_mem>>) src(%dma_wait3A_112 : memref<64xf32, #tpu.memory_space<vmem_shared>>) dst(%dma_wait3A_111 : memref<64xf32, #tpu.memory_space<vmem>>)
      tpu.yield
    }) : () -> ()
    %run_scoped3A = arith.constant 0 : i32
    "tpu.region"() ({
      %run_scoped3A_101 = tpu.sem_alloc : memref<!tpu.dma_semaphore, #tpu.memory_space<semaphore_mem>>
      %dma_start3A_102 = arith.constant 0 : i32
      %dma_start3A_103 = arith.constant 0 : i32
      %dma_start3A_104 = tpu.memref_slice %arg9[%run_scoped3A, %dma_start3A_102, %dma_start3A_103] : memref<2x256x96xf32, #tpu.memory_space<vmem>> -> memref<1x64x96xf32, #tpu.memory_space<vmem>>
      %dma_start3A_105 = tpu.memref_squeeze %dma_start3A_104 : memref<1x64x96xf32, #tpu.memory_space<vmem>> -> memref<64x96xf32, #tpu.memory_space<vmem>>
      %dma_start3A_106 = arith.constant 0 : i32
      %dma_start3A_107 = tpu.memref_slice %arg12[%multiple_of3A_24, %dma_start3A_106] : memref<1024x96xf32, #tpu.memory_space<vmem_shared>> -> memref<64x96xf32, #tpu.memory_space<vmem_shared>>
      %dma_start3A_108 = arith.constant 0 : i32
      %dma_start3A_109 = arith.constant 0 : i32
      %dma_start3A_110 = tpu.memref_slice %arg9[%run_scoped3A, %dma_start3A_108, %dma_start3A_109] : memref<2x256x96xf32, #tpu.memory_space<vmem>> -> memref<1x64x96xf32, #tpu.memory_space<vmem>>
      %dma_start3A_111 = tpu.memref_squeeze %dma_start3A_110 : memref<1x64x96xf32, #tpu.memory_space<vmem>> -> memref<64x96xf32, #tpu.memory_space<vmem>>
      %dma_start3A_112 = arith.constant 0 : i32
      %dma_start3A_113 = tpu.memref_slice %arg12[%multiple_of3A_24, %dma_start3A_112] : memref<1024x96xf32, #tpu.memory_space<vmem_shared>> -> memref<64x96xf32, #tpu.memory_space<vmem_shared>>
      tpu.enqueue_dma source(%dma_start3A_113 : memref<64x96xf32, #tpu.memory_space<vmem_shared>>) target(%dma_start3A_111 : memref<64x96xf32, #tpu.memory_space<vmem>>) target_semaphore(%run_scoped3A_101 : memref<!tpu.dma_semaphore, #tpu.memory_space<semaphore_mem>>)
      %dma_wait3A = arith.constant 0 : i32
      %dma_wait3A_114 = arith.constant 0 : i32
      %dma_wait3A_115 = tpu.memref_slice %arg9[%run_scoped3A, %dma_wait3A, %dma_wait3A_114] : memref<2x256x96xf32, #tpu.memory_space<vmem>> -> memref<1x64x96xf32, #tpu.memory_space<vmem>>
      %dma_wait3A_116 = tpu.memref_squeeze %dma_wait3A_115 : memref<1x64x96xf32, #tpu.memory_space<vmem>> -> memref<64x96xf32, #tpu.memory_space<vmem>>
      %dma_wait3A_117 = arith.constant 0 : i32
      %dma_wait3A_118 = tpu.memref_slice %arg12[%multiple_of3A_24, %dma_wait3A_117] : memref<1024x96xf32, #tpu.memory_space<vmem_shared>> -> memref<64x96xf32, #tpu.memory_space<vmem_shared>>
      %dma_wait3A_119 = arith.constant 0 : i32
      %dma_wait3A_120 = arith.constant 0 : i32
      %dma_wait3A_121 = tpu.memref_slice %arg9[%run_scoped3A, %dma_wait3A_119, %dma_wait3A_120] : memref<2x256x96xf32, #tpu.memory_space<vmem>> -> memref<1x64x96xf32, #tpu.memory_space<vmem>>
      %dma_wait3A_122 = tpu.memref_squeeze %dma_wait3A_121 : memref<1x64x96xf32, #tpu.memory_space<vmem>> -> memref<64x96xf32, #tpu.memory_space<vmem>>
      %dma_wait3A_123 = arith.constant 0 : i32
      %dma_wait3A_124 = tpu.memref_slice %arg12[%multiple_of3A_24, %dma_wait3A_123] : memref<1024x96xf32, #tpu.memory_space<vmem_shared>> -> memref<64x96xf32, #tpu.memory_space<vmem_shared>>
      tpu.wait_dma2 semaphore(%run_scoped3A_101 : memref<!tpu.dma_semaphore, #tpu.memory_space<semaphore_mem>>) src(%dma_wait3A_124 : memref<64x96xf32, #tpu.memory_space<vmem_shared>>) dst(%dma_wait3A_122 : memref<64x96xf32, #tpu.memory_space<vmem>>)
      tpu.yield
    }) : () -> ()
    %broadcast_in_dim3A = arith.constant 1.000000e+00 : f32
    %broadcast_in_dim3A_59 = vector.broadcast %broadcast_in_dim3A : f32 to vector<16xf32>
    %get3A = arith.constant 0 : index
    %get3A_60 = tpu.vector_load %arg11[%get3A] {strides = array<i32>} : memref<80xf32, #tpu.memory_space<vmem>>, vector<16xf32>,
    %get3A_61 = vector.shape_cast %get3A_60 : vector<16xf32> to vector<16xf32>
    %div3A_62 = arith.divf %broadcast_in_dim3A_59, %get3A_61 : vector<16xf32>
    %swap3A = arith.constant 0 : index
    %swap3A_63 = tpu.vector_load %arg11[%swap3A] {strides = array<i32>} : memref<80xf32, #tpu.memory_space<vmem>>, vector<16xf32>,
    %swap3A_64 = vector.shape_cast %swap3A_63 : vector<16xf32> to vector<16xf32>
    %swap3A_65 = vector.shape_cast %div3A_62 : vector<16xf32> to vector<16xf32>
    tpu.vector_store %arg11[%swap3A], %swap3A_65 {strides = array<i32>} : memref<80xf32, #tpu.memory_space<vmem>>, vector<16xf32>,
    %get3A_66 = arith.constant 16 : index
    %get3A_67 = tpu.vector_load %arg11[%get3A_66] {strides = array<i32>} : memref<80xf32, #tpu.memory_space<vmem>>, vector<16xf32>,
    %get3A_68 = vector.shape_cast %get3A_67 : vector<16xf32> to vector<16xf32>
    %div3A_69 = arith.divf %broadcast_in_dim3A_59, %get3A_68 : vector<16xf32>
    %swap3A_70 = arith.constant 16 : index
    %swap3A_71 = tpu.vector_load %arg11[%swap3A_70] {strides = array<i32>} : memref<80xf32, #tpu.memory_space<vmem>>, vector<16xf32>,
    %swap3A_72 = vector.shape_cast %swap3A_71 : vector<16xf32> to vector<16xf32>
    %swap3A_73 = vector.shape_cast %div3A_69 : vector<16xf32> to vector<16xf32>
    tpu.vector_store %arg11[%swap3A_70], %swap3A_73 {strides = array<i32>} : memref<80xf32, #tpu.memory_space<vmem>>, vector<16xf32>,
    %get3A_74 = arith.constant 32 : index
    %get3A_75 = tpu.vector_load %arg11[%get3A_74] {strides = array<i32>} : memref<80xf32, #tpu.memory_space<vmem>>, vector<16xf32>,
    %get3A_76 = vector.shape_cast %get3A_75 : vector<16xf32> to vector<16xf32>
    %div3A_77 = arith.divf %broadcast_in_dim3A_59, %get3A_76 : vector<16xf32>
    %swap3A_78 = arith.constant 32 : index
    %swap3A_79 = tpu.vector_load %arg11[%swap3A_78] {strides = array<i32>} : memref<80xf32, #tpu.memory_space<vmem>>, vector<16xf32>,
    %swap3A_80 = vector.shape_cast %swap3A_79 : vector<16xf32> to vector<16xf32>
    %swap3A_81 = vector.shape_cast %div3A_77 : vector<16xf32> to vector<16xf32>
    tpu.vector_store %arg11[%swap3A_78], %swap3A_81 {strides = array<i32>} : memref<80xf32, #tpu.memory_space<vmem>>, vector<16xf32>,
    %get3A_82 = arith.constant 48 : index
    %get3A_83 = tpu.vector_load %arg11[%get3A_82] {strides = array<i32>} : memref<80xf32, #tpu.memory_space<vmem>>, vector<16xf32>,
    %get3A_84 = vector.shape_cast %get3A_83 : vector<16xf32> to vector<16xf32>
    %div3A_85 = arith.divf %broadcast_in_dim3A_59, %get3A_84 : vector<16xf32>
    %swap3A_86 = arith.constant 48 : index
    %swap3A_87 = tpu.vector_load %arg11[%swap3A_86] {strides = array<i32>} : memref<80xf32, #tpu.memory_space<vmem>>, vector<16xf32>,
    %swap3A_88 = vector.shape_cast %swap3A_87 : vector<16xf32> to vector<16xf32>
    %swap3A_89 = vector.shape_cast %div3A_85 : vector<16xf32> to vector<16xf32>
    tpu.vector_store %arg11[%swap3A_86], %swap3A_89 {strides = array<i32>} : memref<80xf32, #tpu.memory_space<vmem>>, vector<16xf32>,
    %scan3A_90 = arith.constant 0 : i32
    %scan3A_91 = arith.constant 0 : i32
    %scan3A_92 = arith.constant 64 : i32
    %scan3A_93 = arith.addi %scan3A_91, %scan3A_92 : i32
    %scan3A_94 = arith.constant 1 : i32
    scf.for %scan3A_101 = %scan3A_91 to %scan3A_93 step %scan3A_94  : i32 {
      %get3A_102 = arith.index_cast %scan3A_101 : i32 to index
      %get3A_103 = tpu.vector_load %arg11[%get3A_102] {strides = array<i32>} : memref<80xf32, #tpu.memory_space<vmem>>, vector<16xf32>,
      %get3A_104 = vector.shape_cast %get3A_103 : vector<16xf32> to vector<16xf32>
      %slice3A = vector.extract_strided_slice %get3A_104 {offsets = [0], sizes = [1], strides = [1]} : vector<16xf32> to vector<1xf32>
      %squeeze3A = vector.extract %slice3A[0] : f32 from vector<1xf32>
      %broadcast_in_dim3A_105 = vector.broadcast %squeeze3A : f32 to vector<16xf32>
      %get3A_106 = arith.constant 0 : i32
      %get3A_107 = arith.index_cast %get3A_106 : i32 to index
      %get3A_108 = arith.index_cast %scan3A_101 : i32 to index
      %get3A_109 = arith.constant 0 : index
      %get3A_110 = tpu.vector_load %arg9[%get3A_107, %get3A_108, %get3A_109] {strides = array<i32>} : memref<2x256x96xf32, #tpu.memory_space<vmem>>, vector<1x1x16xf32>,
      %get3A_111 = vector.shape_cast %get3A_110 : vector<1x1x16xf32> to vector<16xf32>
      %mul3A_112 = arith.mulf %get3A_111, %broadcast_in_dim3A_105 : vector<16xf32>
      %swap3A_113 = arith.constant 0 : i32
      %swap3A_114 = arith.index_cast %swap3A_113 : i32 to index
      %swap3A_115 = arith.index_cast %scan3A_101 : i32 to index
      %swap3A_116 = arith.constant 0 : index
      %swap3A_117 = tpu.vector_load %arg9[%swap3A_114, %swap3A_115, %swap3A_116] {strides = array<i32>} : memref<2x256x96xf32, #tpu.memory_space<vmem>>, vector<1x1x16xf32>,
      %swap3A_118 = vector.shape_cast %swap3A_117 : vector<1x1x16xf32> to vector<16xf32>
      %swap3A_119 = vector.shape_cast %mul3A_112 : vector<16xf32> to vector<1x1x16xf32>
      tpu.vector_store %arg9[%swap3A_114, %swap3A_115, %swap3A_116], %swap3A_119 {strides = array<i32>} : memref<2x256x96xf32, #tpu.memory_space<vmem>>, vector<1x1x16xf32>,
      %get3A_120 = arith.constant 0 : i32
      %get3A_121 = arith.index_cast %get3A_120 : i32 to index
      %get3A_122 = arith.index_cast %scan3A_101 : i32 to index
      %get3A_123 = arith.constant 16 : index
      %get3A_124 = tpu.vector_load %arg9[%get3A_121, %get3A_122, %get3A_123] {strides = array<i32>} : memref<2x256x96xf32, #tpu.memory_space<vmem>>, vector<1x1x16xf32>,
      %get3A_125 = vector.shape_cast %get3A_124 : vector<1x1x16xf32> to vector<16xf32>
      %mul3A_126 = arith.mulf %get3A_125, %broadcast_in_dim3A_105 : vector<16xf32>
      %swap3A_127 = arith.constant 0 : i32
      %swap3A_128 = arith.index_cast %swap3A_127 : i32 to index
      %swap3A_129 = arith.index_cast %scan3A_101 : i32 to index
      %swap3A_130 = arith.constant 16 : index
      %swap3A_131 = tpu.vector_load %arg9[%swap3A_128, %swap3A_129, %swap3A_130] {strides = array<i32>} : memref<2x256x96xf32, #tpu.memory_space<vmem>>, vector<1x1x16xf32>,
      %swap3A_132 = vector.shape_cast %swap3A_131 : vector<1x1x16xf32> to vector<16xf32>
      %swap3A_133 = vector.shape_cast %mul3A_126 : vector<16xf32> to vector<1x1x16xf32>
      tpu.vector_store %arg9[%swap3A_128, %swap3A_129, %swap3A_130], %swap3A_133 {strides = array<i32>} : memref<2x256x96xf32, #tpu.memory_space<vmem>>, vector<1x1x16xf32>,
      %get3A_134 = arith.constant 0 : i32
      %get3A_135 = arith.index_cast %get3A_134 : i32 to index
      %get3A_136 = arith.index_cast %scan3A_101 : i32 to index
      %get3A_137 = arith.constant 32 : index
      %get3A_138 = tpu.vector_load %arg9[%get3A_135, %get3A_136, %get3A_137] {strides = array<i32>} : memref<2x256x96xf32, #tpu.memory_space<vmem>>, vector<1x1x16xf32>,
      %get3A_139 = vector.shape_cast %get3A_138 : vector<1x1x16xf32> to vector<16xf32>
      %mul3A_140 = arith.mulf %get3A_139, %broadcast_in_dim3A_105 : vector<16xf32>
      %swap3A_141 = arith.constant 0 : i32
      %swap3A_142 = arith.index_cast %swap3A_141 : i32 to index
      %swap3A_143 = arith.index_cast %scan3A_101 : i32 to index
      %swap3A_144 = arith.constant 32 : index
      %swap3A_145 = tpu.vector_load %arg9[%swap3A_142, %swap3A_143, %swap3A_144] {strides = array<i32>} : memref<2x256x96xf32, #tpu.memory_space<vmem>>, vector<1x1x16xf32>,
      %swap3A_146 = vector.shape_cast %swap3A_145 : vector<1x1x16xf32> to vector<16xf32>
      %swap3A_147 = vector.shape_cast %mul3A_140 : vector<16xf32> to vector<1x1x16xf32>
      tpu.vector_store %arg9[%swap3A_142, %swap3A_143, %swap3A_144], %swap3A_147 {strides = array<i32>} : memref<2x256x96xf32, #tpu.memory_space<vmem>>, vector<1x1x16xf32>,
      %get3A_148 = arith.constant 0 : i32
      %get3A_149 = arith.index_cast %get3A_148 : i32 to index
      %get3A_150 = arith.index_cast %scan3A_101 : i32 to index
      %get3A_151 = arith.constant 48 : index
      %get3A_152 = tpu.vector_load %arg9[%get3A_149, %get3A_150, %get3A_151] {strides = array<i32>} : memref<2x256x96xf32, #tpu.memory_space<vmem>>, vector<1x1x16xf32>,
      %get3A_153 = vector.shape_cast %get3A_152 : vector<1x1x16xf32> to vector<16xf32>
      %mul3A_154 = arith.mulf %get3A_153, %broadcast_in_dim3A_105 : vector<16xf32>
      %swap3A_155 = arith.constant 0 : i32
      %swap3A_156 = arith.index_cast %swap3A_155 : i32 to index
      %swap3A_157 = arith.index_cast %scan3A_101 : i32 to index
      %swap3A_158 = arith.constant 48 : index
      %swap3A_159 = tpu.vector_load %arg9[%swap3A_156, %swap3A_157, %swap3A_158] {strides = array<i32>} : memref<2x256x96xf32, #tpu.memory_space<vmem>>, vector<1x1x16xf32>,
      %swap3A_160 = vector.shape_cast %swap3A_159 : vector<1x1x16xf32> to vector<16xf32>
      %swap3A_161 = vector.shape_cast %mul3A_154 : vector<16xf32> to vector<1x1x16xf32>
      tpu.vector_store %arg9[%swap3A_156, %swap3A_157, %swap3A_158], %swap3A_161 {strides = array<i32>} : memref<2x256x96xf32, #tpu.memory_space<vmem>>, vector<1x1x16xf32>,
      %get3A_162 = arith.constant 0 : i32
      %get3A_163 = arith.index_cast %get3A_162 : i32 to index
      %get3A_164 = arith.index_cast %scan3A_101 : i32 to index
      %get3A_165 = arith.constant 64 : index
      %get3A_166 = tpu.vector_load %arg9[%get3A_163, %get3A_164, %get3A_165] {strides = array<i32>} : memref<2x256x96xf32, #tpu.memory_space<vmem>>, vector<1x1x16xf32>,
      %get3A_167 = vector.shape_cast %get3A_166 : vector<1x1x16xf32> to vector<16xf32>
      %mul3A_168 = arith.mulf %get3A_167, %broadcast_in_dim3A_105 : vector<16xf32>
      %swap3A_169 = arith.constant 0 : i32
      %swap3A_170 = arith.index_cast %swap3A_169 : i32 to index
      %swap3A_171 = arith.index_cast %scan3A_101 : i32 to index
      %swap3A_172 = arith.constant 64 : index
      %swap3A_173 = tpu.vector_load %arg9[%swap3A_170, %swap3A_171, %swap3A_172] {strides = array<i32>} : memref<2x256x96xf32, #tpu.memory_space<vmem>>, vector<1x1x16xf32>,
      %swap3A_174 = vector.shape_cast %swap3A_173 : vector<1x1x16xf32> to vector<16xf32>
      %swap3A_175 = vector.shape_cast %mul3A_168 : vector<16xf32> to vector<1x1x16xf32>
      tpu.vector_store %arg9[%swap3A_170, %swap3A_171, %swap3A_172], %swap3A_175 {strides = array<i32>} : memref<2x256x96xf32, #tpu.memory_space<vmem>>, vector<1x1x16xf32>,
      %get3A_176 = arith.constant 0 : i32
      %get3A_177 = arith.index_cast %get3A_176 : i32 to index
      %get3A_178 = arith.index_cast %scan3A_101 : i32 to index
      %get3A_179 = arith.constant 80 : index
      %get3A_180 = tpu.vector_load %arg9[%get3A_177, %get3A_178, %get3A_179] {strides = array<i32>} : memref<2x256x96xf32, #tpu.memory_space<vmem>>, vector<1x1x16xf32>,
      %get3A_181 = vector.shape_cast %get3A_180 : vector<1x1x16xf32> to vector<16xf32>
      %mul3A_182 = arith.mulf %get3A_181, %broadcast_in_dim3A_105 : vector<16xf32>
      %swap3A_183 = arith.constant 0 : i32
      %swap3A_184 = arith.index_cast %swap3A_183 : i32 to index
      %swap3A_185 = arith.index_cast %scan3A_101 : i32 to index
      %swap3A_186 = arith.constant 80 : index
      %swap3A_187 = tpu.vector_load %arg9[%swap3A_184, %swap3A_185, %swap3A_186] {strides = array<i32>} : memref<2x256x96xf32, #tpu.memory_space<vmem>>, vector<1x1x16xf32>,
      %swap3A_188 = vector.shape_cast %swap3A_187 : vector<1x1x16xf32> to vector<16xf32>
      %swap3A_189 = vector.shape_cast %mul3A_182 : vector<16xf32> to vector<1x1x16xf32>
      tpu.vector_store %arg9[%swap3A_184, %swap3A_185, %swap3A_186], %swap3A_189 {strides = array<i32>} : memref<2x256x96xf32, #tpu.memory_space<vmem>>, vector<1x1x16xf32>,
    }
    %scan3A_95 = arith.constant 64 : i32
    %mul3A_96 = arith.constant 1024 : i32
    %mul3A_97 = arith.muli %arg0, %mul3A_96 : i32
    %add3A_98 = arith.addi %mul3A_97, %multiple_of3A_24 : i32
    %multiple_of3A_99 = tpu.assume_multiple %add3A_98, 64 : i32
    %run_scoped3A_100 = arith.constant 0 : i32
    "tpu.region"() ({
      %run_scoped3A_101 = tpu.sem_alloc : memref<!tpu.dma_semaphore, #tpu.memory_space<semaphore_mem>>
      %dma_start3A_102 = arith.constant 0 : i32
      %dma_start3A_103 = arith.constant 0 : i32
      %dma_start3A_104 = tpu.memref_slice %arg9[%run_scoped3A_100, %dma_start3A_102, %dma_start3A_103] : memref<2x256x96xf32, #tpu.memory_space<vmem>> -> memref<1x64x96xf32, #tpu.memory_space<vmem>>
      %dma_start3A_105 = tpu.memref_squeeze %dma_start3A_104 : memref<1x64x96xf32, #tpu.memory_space<vmem>> -> memref<64x96xf32, #tpu.memory_space<vmem>>
      %dma_start3A_106 = arith.constant 0 : i32
      %dma_start3A_107 = tpu.memref_slice %arg7[%multiple_of3A_99, %dma_start3A_106] : memref<2048x96xf32, #tpu.memory_space<hbm>> -> memref<64x96xf32, #tpu.memory_space<hbm>>
      %dma_start3A_108 = arith.constant 0 : i32
      %dma_start3A_109 = tpu.memref_slice %arg7[%multiple_of3A_99, %dma_start3A_108] : memref<2048x96xf32, #tpu.memory_space<hbm>> -> memref<64x96xf32, #tpu.memory_space<hbm>>
      %dma_start3A_110 = arith.constant 0 : i32
      %dma_start3A_111 = arith.constant 0 : i32
      %dma_start3A_112 = tpu.memref_slice %arg9[%run_scoped3A_100, %dma_start3A_110, %dma_start3A_111] : memref<2x256x96xf32, #tpu.memory_space<vmem>> -> memref<1x64x96xf32, #tpu.memory_space<vmem>>
      %dma_start3A_113 = tpu.memref_squeeze %dma_start3A_112 : memref<1x64x96xf32, #tpu.memory_space<vmem>> -> memref<64x96xf32, #tpu.memory_space<vmem>>
      tpu.enqueue_dma source(%dma_start3A_113 : memref<64x96xf32, #tpu.memory_space<vmem>>) target(%dma_start3A_109 : memref<64x96xf32, #tpu.memory_space<hbm>>) target_semaphore(%run_scoped3A_101 : memref<!tpu.dma_semaphore, #tpu.memory_space<semaphore_mem>>)
      %dma_wait3A = arith.constant 0 : i32
      %dma_wait3A_114 = arith.constant 0 : i32
      %dma_wait3A_115 = tpu.memref_slice %arg9[%run_scoped3A_100, %dma_wait3A, %dma_wait3A_114] : memref<2x256x96xf32, #tpu.memory_space<vmem>> -> memref<1x64x96xf32, #tpu.memory_space<vmem>>
      %dma_wait3A_116 = tpu.memref_squeeze %dma_wait3A_115 : memref<1x64x96xf32, #tpu.memory_space<vmem>> -> memref<64x96xf32, #tpu.memory_space<vmem>>
      %dma_wait3A_117 = arith.constant 0 : i32
      %dma_wait3A_118 = tpu.memref_slice %arg7[%multiple_of3A_99, %dma_wait3A_117] : memref<2048x96xf32, #tpu.memory_space<hbm>> -> memref<64x96xf32, #tpu.memory_space<hbm>>
      %dma_wait3A_119 = arith.constant 0 : i32
      %dma_wait3A_120 = tpu.memref_slice %arg7[%multiple_of3A_99, %dma_wait3A_119] : memref<2048x96xf32, #tpu.memory_space<hbm>> -> memref<64x96xf32, #tpu.memory_space<hbm>>
      %dma_wait3A_121 = arith.constant 0 : i32
      %dma_wait3A_122 = arith.constant 0 : i32
      %dma_wait3A_123 = tpu.memref_slice %arg9[%run_scoped3A_100, %dma_wait3A_121, %dma_wait3A_122] : memref<2x256x96xf32, #tpu.memory_space<vmem>> -> memref<1x64x96xf32, #tpu.memory_space<vmem>>
      %dma_wait3A_124 = tpu.memref_squeeze %dma_wait3A_123 : memref<1x64x96xf32, #tpu.memory_space<vmem>> -> memref<64x96xf32, #tpu.memory_space<vmem>>
      tpu.wait_dma2 semaphore(%run_scoped3A_101 : memref<!tpu.dma_semaphore, #tpu.memory_space<semaphore_mem>>) src(%dma_wait3A_124 : memref<64x96xf32, #tpu.memory_space<vmem>>) dst(%dma_wait3A_120 : memref<64x96xf32, #tpu.memory_space<hbm>>)
      tpu.yield
    }) : () -> ()
    return
  }
}

module attributes {stable_mosaic.version = 14 : i64} {
  func.func @transpose_pad_h0(%arg0: i32, %arg1: i32, %arg2: memref<1x32x96x384xf32, #tpu.memory_space<vmem>>, %arg3: memref<12288x128xf32, #tpu.memory_space<vmem>>) attributes {dimension_semantics = [#tpu.dimension_semantics<arbitrary>, #tpu.dimension_semantics<arbitrary>], iteration_bounds = array<i64: 2, 12>, scalar_prefetch = 0 : i64, scratch_operands = 0 : i64, tpu.core_type = #tpu.core_type<tc>, window_params = [{transform_indices = @transform_0, window_bounds = array<i64: 1, 32, 96, 384>}, {transform_indices = @transform_1, window_bounds = array<i64: 12288, 128>}]} {
    %get3A = arith.constant 0 : index
    %get3A_0 = arith.constant 0 : index
    %get3A_1 = arith.constant 0 : index
    %get3A_2 = arith.constant 0 : index
    %get3A_3 = vector.load %arg2[%get3A, %get3A_0, %get3A_1, %get3A_2] : memref<1x32x96x384xf32, #tpu.memory_space<vmem>>, vector<1x32x96x384xf32>
    %get3A_4 = vector.shape_cast %get3A_3 : vector<1x32x96x384xf32> to vector<32x96x384xf32>
    %transpose3A = tpu.transpose %get3A_4, [0, 2, 1] : vector<32x96x384xf32> -> vector<32x384x96xf32>
    %reshape3A = vector.shape_cast %transpose3A : vector<32x384x96xf32> to vector<12288x96xf32>
    %swap3A = arith.constant 0 : index
    %swap3A_5 = arith.constant 0 : index
    %swap3A_6 = vector.load %arg3[%swap3A, %swap3A_5] : memref<12288x128xf32, #tpu.memory_space<vmem>>, vector<12288x96xf32>
    tpu.vector_store %arg3[%swap3A, %swap3A_5], %reshape3A {strides = array<i32>} : memref<12288x128xf32, #tpu.memory_space<vmem>>, vector<12288x96xf32>,
    return
  }
  func.func @transform_0(%arg0: i32, %arg1: i32) -> (i32, i32, i32, i32) {
    %add3A = arith.constant 0 : i32
    %add3A_0 = arith.addi %arg0, %add3A : i32
    %c0_i32 = arith.constant 0 : i32
    %c0_i32_1 = arith.constant 0 : i32
    %c0_i32_2 = arith.constant 0 : i32
    return %add3A_0, %arg1, %c0_i32, %c0_i32_1 : i32, i32, i32, i32
  }
  func.func @transform_1(%arg0: i32, %arg1: i32) -> (i32, i32) {
    %mul3A = arith.constant 12 : i32
    %mul3A_0 = arith.muli %arg0, %mul3A : i32
    %add3A = arith.addi %mul3A_0, %arg1 : i32
    %c0_i32 = arith.constant 0 : i32
    %c0_i32_1 = arith.constant 0 : i32
    return %add3A, %c0_i32 : i32, i32
  }
}

module attributes {stable_mosaic.version = 14 : i64} {
  func.func @transpose_pad_h1(%arg0: i32, %arg1: i32, %arg2: memref<1x32x96x384xf32, #tpu.memory_space<vmem>>, %arg3: memref<12288x128xf32, #tpu.memory_space<vmem>>) attributes {dimension_semantics = [#tpu.dimension_semantics<arbitrary>, #tpu.dimension_semantics<arbitrary>], iteration_bounds = array<i64: 2, 12>, scalar_prefetch = 0 : i64, scratch_operands = 0 : i64, tpu.core_type = #tpu.core_type<tc>, window_params = [{transform_indices = @transform_0, window_bounds = array<i64: 1, 32, 96, 384>}, {transform_indices = @transform_1, window_bounds = array<i64: 12288, 128>}]} {
    %get3A = arith.constant 0 : index
    %get3A_0 = arith.constant 0 : index
    %get3A_1 = arith.constant 0 : index
    %get3A_2 = arith.constant 0 : index
    %get3A_3 = vector.load %arg2[%get3A, %get3A_0, %get3A_1, %get3A_2] : memref<1x32x96x384xf32, #tpu.memory_space<vmem>>, vector<1x32x96x384xf32>
    %get3A_4 = vector.shape_cast %get3A_3 : vector<1x32x96x384xf32> to vector<32x96x384xf32>
    %transpose3A = tpu.transpose %get3A_4, [0, 2, 1] : vector<32x96x384xf32> -> vector<32x384x96xf32>
    %reshape3A = vector.shape_cast %transpose3A : vector<32x384x96xf32> to vector<12288x96xf32>
    %swap3A = arith.constant 0 : index
    %swap3A_5 = arith.constant 0 : index
    %swap3A_6 = vector.load %arg3[%swap3A, %swap3A_5] : memref<12288x128xf32, #tpu.memory_space<vmem>>, vector<12288x96xf32>
    tpu.vector_store %arg3[%swap3A, %swap3A_5], %reshape3A {strides = array<i32>} : memref<12288x128xf32, #tpu.memory_space<vmem>>, vector<12288x96xf32>,
    return
  }
  func.func @transform_0(%arg0: i32, %arg1: i32) -> (i32, i32, i32, i32) {
    %add3A = arith.constant 2 : i32
    %add3A_0 = arith.addi %arg0, %add3A : i32
    %c0_i32 = arith.constant 0 : i32
    %c0_i32_1 = arith.constant 0 : i32
    %c0_i32_2 = arith.constant 0 : i32
    return %add3A_0, %arg1, %c0_i32, %c0_i32_1 : i32, i32, i32, i32
  }
  func.func @transform_1(%arg0: i32, %arg1: i32) -> (i32, i32) {
    %mul3A = arith.constant 12 : i32
    %mul3A_0 = arith.muli %arg0, %mul3A : i32
    %add3A = arith.addi %mul3A_0, %arg1 : i32
    %c0_i32 = arith.constant 0 : i32
    %c0_i32_1 = arith.constant 0 : i32
    return %add3A, %c0_i32 : i32, i32
  }
}

</mosaic_0001>

<sc_bundles>
// kernel: segment_mean_h0.3.cloned.1.call-start
scs
__scs_entry_jumppad:
0x0: {  	(pc) =	sbr.rel $0x88, $3  }
0x1: {  	(tag) =	ssettag $0x0;
	lr =	simm.s32 $0x1  }
0x2: {  	[smem:$0x3F9F] =	sst lr;
	_ =	strace $0xD0000000  }
0x3: {  	_ = 	snop  }
0x4: {  	_ = 	snop  }
0x5: {  	_ = 	snop  }
0x6: {  	_ = 	snop  }
0x7: {  	_ = 	snop  }
__scs_overlays_trampoline_lowered:
0x8: {  	[smem:$0x3FAE] =	sst s0  }
0x9: {  	[smem:$0x3FAF] =	sst s1  }
0xa: {  	[smem:$0x3FB0] =	sst s2  }
0xb: {  	[smem:$0x3FB1] =	sst s3  }
0xc: {  	[smem:$0x3FB2] =	sst s4  }
0xd: {  	[smem:$0x3FB3] =	sst s5  }
0xe: {  	[smem:$0x3FB4] =	sst s6  }
0xf: {  	[smem:$0x3FB5] =	sst s7  }
0x10: {  	[smem:$0x3FB6] =	sst s8  }
0x11: {  	[smem:$0x3FB7] =	sst s9;
	s0 =	simm.s32 @!p0 $0x0  }
0x12: {  	s1 =	sld [smem:$0x3F9D];
	s0 =	simm.s32 @p0 $0x1  }
0x13: {  	[smem:$0x3FB8] =	sst s0;
	s0 =	simm.s32 @!p1 $0x0  }
0x14: {  	s2 =	sld [smem:$0x3F9C];
	s0 =	simm.s32 @p1 $0x1  }
0x15: {  	[smem:$0x3FB9] =	sst s0;
	s0 =	simm.s32 @!p2 $0x0  }
0x16: {  	s3 =	sld [smem:$0x3FDB];
	s0 =	simm.s32 @p2 $0x1  }
0x17: {  	s4 =	simm.s32 $0x1BF5;
	[smem:$0x3FBB] =	sst s0  }
0x18: {  	s0 =	sld [smem:$0x3F9E];
	_ =	swait.ge [sflag:s4], $0x0  }
0x19: {  	s7 =	sld [smem:$0x3F9F]  }
0x1a: {  	s8 =	sadd.s32 $0xFFFFE003, lr  }
0x1b: {  	s9 =	sadd.s32 $0xFFFFFEF7, lr;
	s5 =	simm.s32 $0xFFFFFFFF;
	p2 =	slt.u32 s8, $0xFFFFF086  }
0x1c: {  	p1 =	slt.u32 s9, $0xF7A;
	s5 =	simm.s32 @!p2 $0x0  }
0x1d: {  	s5 =	simm.s32 @p1 $0x1;
	p0 =	seq.s32 s7, s2  }
0x1e: {  	s7 =	smul.u32 @!p0 $0xF7A, s2;
	p2 =	seq.s32 @!p0 s5, $0x0  }
0x1f: {  	s9 =	smul.u32 $0xF7A, s1;
	s8 =	simm.s32 @!p0 $0x1BF5;
	p2 =	por !p2, p0  }
0x20: {  	[sflag:s8] =	ssyncset.s32 @!p0 $0xFFFFF086;
	s6 =	sadd.s32 @!p0 s3, s7;
	s7 =	simm.s32 @!p0 $0x108  }
0x21: {  	s3 =	sadd.s32 s3, s9;
	s6 =	sadd.s32 @!p0 $0x88, s6;
	s7 =	simm.s32 @p2 $0x1082  }
0x22: {  	[simem:s7], [sflag:s8] =	dma.local @!p0 [hbm:s6], $0xF7A  }
0x23: {  	s9 =	sor.u32 $0xD0000000, s2;
	s6 =	simm.s32 $0x108;
	_ =	swait.ge @!p0 [sflag:s8], $0x0  }
0x24: {  	s3 =	sadd.s32 $0x88, s3;
	s6 =	simm.s32 @!p1 $0x1082;
	[sflag:s4] =	ssyncset.s32 $0xFFFFF086  }
0x25: {  	[simem:s6], [sflag:s4] =	dma.local [hbm:s3], $0xF7A  }
0x26: {  	[smem:$0x3F9F] =	sst s1;
	(tag) =	ssettag s2;
	_ =	strace s9  }
0x27: {  	s1 =	sld [smem:$0x3FAF]  }
0x28: {  	s2 =	sld [smem:$0x3FB0]  }
0x29: {  	s4 =	sld [smem:$0x3FB2]  }
0x2a: {  	p0 =	seq.s32 s5, $0x0;
	s5 =	sld [smem:$0x3FB3]  }
0x2b: {  	s6 =	sld [smem:$0x3FB4]  }
0x2c: {  	s7 =	sld [smem:$0x3FB5]  }
0x2d: {  	s3 =	simm.s32 $0x108;
	s8 =	sld [smem:$0x3FB6]  }
0x2e: {  	s3 =	simm.s32 @!p0 $0x1082;
	s9 =	sld [smem:$0x3FB7]  }
0x2f: {  	lr =	sadd.s32 s0, s3;
	s0 =	sld [smem:$0x3FAE]  }
0x30: {  	s3 =	sld [smem:$0x3FB1]  }
0x31: {  	[smem:$0x3FBA] =	sst s10  }
0x32: {  	s10 =	sld [smem:$0x3FB8];
	_ =	sdelay $0x3  }
0x33: {  	p0 =	seq.s32 s10, $0x1;
	s10 =	sld [smem:$0x3FBA];
	_ =	sdelay $0x3  }
0x34: {  	[smem:$0x3FBA] =	sst s10  }
0x35: {  	s10 =	sld [smem:$0x3FB9];
	_ =	sdelay $0x3  }
0x36: {  	p1 =	seq.s32 s10, $0x1;
	s10 =	sld [smem:$0x3FBA];
	_ =	sdelay $0x3  }
0x37: {  	[smem:$0x3FBA] =	sst s10  }
0x38: {  	s10 =	sld [smem:$0x3FBB]  }
0x39: {  	_ = 	snop;
	(pc) =	sbr.ind lr, $3  }
0x3a: {  	_ = 	snop  }
0x3b: {  	_ = 	snop  }
0x3c: {  	p2 =	seq.s32 s10, $0x1;
	s10 =	sld [smem:$0x3FBA]  }
0x3d: {  	_ =	shalt  }
0x3e: {  	_ =	shalt  }
0x3f: {  	_ =	shalt  }
0x40: {  	_ =	shalt  }
0x41: {  	_ =	shalt  }
0x42: {  	_ =	shalt  }
0x43: {  	_ =	shalt  }
0x44: {  	_ =	shalt  }
0x45: {  	_ =	shalt  }
0x46: {  	_ =	shalt  }
0x47: {  	_ =	shalt  }
0x48: {  	_ =	shalt  }
0x49: {  	_ =	shalt  }
0x4a: {  	_ =	shalt  }
0x4b: {  	_ =	shalt  }
0x4c: {  	_ =	shalt  }
0x4d: {  	_ =	shalt  }
0x4e: {  	_ =	shalt  }
0x4f: {  	_ =	shalt  }
0x50: {  	_ =	shalt  }
0x51: {  	_ =	shalt  }
0x52: {  	_ =	shalt  }
0x53: {  	_ =	shalt  }
0x54: {  	_ =	shalt  }
0x55: {  	_ =	shalt  }
0x56: {  	_ =	shalt  }
0x57: {  	_ =	shalt  }
0x58: {  	_ =	shalt  }
0x59: {  	_ =	shalt  }
0x5a: {  	_ =	shalt  }
0x5b: {  	_ =	shalt  }
0x5c: {  	_ =	shalt  }
0x5d: {  	_ =	shalt  }
0x5e: {  	_ =	shalt  }
0x5f: {  	_ =	shalt  }
0x60: {  	_ =	shalt  }
0x61: {  	_ =	shalt  }
0x62: {  	_ =	shalt  }
0x63: {  	_ =	shalt  }
0x64: {  	_ =	shalt  }
0x65: {  	_ =	shalt  }
0x66: {  	_ =	shalt  }
0x67: {  	_ =	shalt  }
0x68: {  	_ =	shalt  }
0x69: {  	_ =	shalt  }
0x6a: {  	_ =	shalt  }
0x6b: {  	_ =	shalt  }
0x6c: {  	_ =	shalt  }
0x6d: {  	_ =	shalt  }
0x6e: {  	_ =	shalt  }
0x6f: {  	_ =	shalt  }
0x70: {  	_ =	shalt  }
0x71: {  	_ =	shalt  }
0x72: {  	_ =	shalt  }
0x73: {  	_ =	shalt  }
0x74: {  	_ =	shalt  }
0x75: {  	_ =	shalt  }
0x76: {  	_ =	shalt  }
0x77: {  	_ =	shalt  }
0x78: {  	_ =	shalt  }
0x79: {  	_ =	shalt  }
0x7a: {  	_ =	shalt  }
0x7b: {  	_ =	shalt  }
0x7c: {  	_ =	shalt  }
0x7d: {  	_ =	shalt  }
0x7e: {  	_ =	shalt  }
0x7f: {  	_ =	shalt  }
0x80: {  	_ =	shalt  }
0x81: {  	_ =	shalt  }
0x82: {  	_ =	shalt  }
0x83: {  	_ =	shalt  }
0x84: {  	_ =	shalt  }
0x85: {  	_ =	shalt  }
0x86: {  	_ =	shalt  }
0x87: {  	_ =	shalt  }
.Lfunc_end0:
.L_simem_size_0:
called_computation_lowered:
.L_overlay_start_0:
0x88: {  	s2 =	sld [smem:$0x3FD9]  }
0x89: {  	s3 =	sld [smem:$0x3FFE];
	_ =	sdelay $0x1  }
0x8a: {  	s1 =	srdreg.scid  }
0x8b: {  	s0 =	sand.u32 $0x1, s1  }
0x8c: {  	s17 =	sshll.u32 s0, $0xA;
	s2 =	sadd.s32 s3, s2  }
0x8d: {  	s2 =	sadd.s32 s2, s17  }
0x8e: {  	[smem:$0x3FC6] =	sst s2  }
0x8f: {  	_ = 	snop  }
0x90: {  	s18 =	sld [smem:$0x3FD0];
	(tm) =	ssettm $0x1  }
0x91: {  	s19 =	sld [smem:$0x3FFB];
	_ =	sdelay $0x3  }
0x92: {  	_ =	strace s19  }
0x93: {  	s2 =	sld [smem:$0x3FFC];
	_ =	sdelay $0x3  }
0x94: {  	_ =	strace s2  }
0x95: {  	s2 =	sld [smem:$0x3FFD];
	_ =	sdelay $0x3  }
0x96: {  	_ =	strace s2  }
0x97: {  	_ =	strace $0x8FFFFFFF  }
0x98: {  	s20 =	sld [smem:$0x3FDB];
	_ =	sdelay $0x1  }
0x99: {  	s4 =	simm.s32 $_scs_section_size  }
0x9a: {  	s5 =	simm.s32 $_size__tile_overlayer_lowered;
	s6 =	simm.s32 $_tile_overlayer_lowered  }
0x9b: {  	s7 =	simm.s32 $0x1BFF;
	s21 =	sshll.u32 s6, $0x1;
	s4 =	sadd.s32 s4, s20  }
0x9c: {  	s22 =	simm.s32 $0x0;
	s5 =	sshll.u32 s5, $0x1;
	s6 =	sadd.s32 s21, s4  }
0x9d: {  	[timem:s22], [sflag:s7] =	dma.local [hbm:s6], s5  }
0x9e: {  	_ =	swait.ge [sflag:s7], s5  }
0x9f: {  	s5 =	ssub.s32 $0x0, s5;
	[sflag:s7] =	ssyncset.done $0x0  }
0xa0: {  	[sflag:s7] =	ssyncadd.s32 s5;
	_ =	sdelay $0x1  }
0xa1: {  	s23 =	simm.s32 $0x1B8B  }
0xa2: {  	_ =	swait.ge [sflag:s23], $0x1  }
0xa3: {  	[sflag:s23] =	ssyncset.done $0x0  }
0xa4: {  	[sflag:s23] =	ssyncadd.s32 $0xFFFFFFFF  }
0xa5: {  	s5 =	sld [smem:$0x0]  }
0xa6: {  	s6 =	sand.u32 $0xFFFFFFFE, s1  }
0xa7: {  	p0 =	sne.s32 s1, s6  }
0xa8: {  	s6 =	sshll.u32 @p0 s6, $0xE  }
0xa9: {  	s6 =	sadd.s32 @p0 $0x11B8D, s6;
	s7 =	sshll.u32 @p0 s5, $0x11  }
0xaa: {  	s6 =	sor.u32 @p0 s7, s6  }
0xab: {  	[sflag:s6] =	ssyncadd.remote.s32 @p0 $0x1;
	_ =	sdelay $0x1  }
0xac: {  	s6 =	simm.s32 @p0 $0x1B8D  }
0xad: {  	_ =	swait.eq @p0 [sflag:s6], $0x1  }
0xae: {  	[sflag:s6] =	ssyncadd.s32 @p0 $0xFFFFFFFF  }
0xaf: {  	s7 =	sshll.u32 @!p0 s1, $0xE  }
0xb0: {  	s7 =	sor.u32 @!p0 $0x4000, s7;
	s6 =	simm.s32 @!p0 $0x1B8D  }
0xb1: {  	s5 =	sshll.u32 @!p0 s5, $0x11;
	s7 =	sadd.s32 @!p0 $0x11B8D, s7;
	_ =	swait.eq @!p0 [sflag:s6], $0x1  }
0xb2: {  	s5 =	sor.u32 @!p0 s5, s7;
	[sflag:s6] =	ssyncadd.s32 @!p0 $0xFFFFFFFF  }
0xb3: {  	s25 =	simm.s32 $0x1B8E;
	s24 =	sld [smem:$0x3FFE];
	[sflag:s5] =	ssyncadd.remote.s32 @!p0 $0x1  }
0xb4: {  	s26 =	simm.s32 $execute0_lowered;
	[smem:$0x3FD2] =	sst s25  }
0xb5: {  	s6 =	sshll.u32 s26, $0x1;
	_ =	strace $0x80000049;
	[dreg:$0x1] =	wrdreg $0xFFFFFFFF  }
0xb6: {  	s28 =	simm.s32 $_size_execute0_lowered;
	s4 =	sadd.s32 s4, s6;
	[dreg:$0x0] =	wrdreg $0x0  }
0xb7: {  	s6 =	sshll.u32 s28, $0x1;
	[dreg:$0x2] =	wrdreg s4  }
0xb8: {  	[dreg:$0x3] =	wrdreg s6  }
0xb9: {  	[dreg:$0x4] =	wrdreg $0xC0  }
0xba: {  	_ =	task [dreg:s22], $0x5FFFF  }
0xbb: {  	[dreg:$0x1] =	wrdreg $0xFFFFFFFF  }
0xbc: {  	[dreg:$0x0] =	wrdreg $0x60  }
0xbd: {  	[dreg:$0x2] =	wrdreg s24  }
0xbe: {  	[dreg:$0x3] =	wrdreg s18  }
0xbf: {  	[dreg:$0x4] =	wrdreg $0xE4D00  }
0xc0: {  	[dreg:$0x5] =	wrdreg $0xFCD00  }
0xc1: {  	[dreg:$0x6] =	wrdreg $0x9  }
0xc2: {  	_ =	task.clear_ibuf [dreg:s22], $0x7FFFF;
	_ =	strace $0x90000049  }
0xc3: {  	s29 =	simm.s32 $0x9;
	_ =	strace $0x8000004B  }
0xc4: {  	_ =	swait.ge [sflag:s29], $0x1  }
0xc5: {  	[sflag:s29] =	ssyncadd.s32 $0xFFFFFFFF  }
0xc6: {  	_ =	strace $0x9000004B  }
0xc7: {  	_ =	sfence  }
0xc8: {  	s30 =	sld [smem:$0x0];
	_ =	sdelay $0x2  }
0xc9: {  	s31 =	sshll.u32 s1, $0xD;
	s1 =	sshrl.u32 s1, $0x2  }
0xca: {  	s4 =	sand.u32 $0x4000, s31;
	s1 =	sadd.s32 s1, s30  }
0xcb: {  	s0 =	sor.u32 s4, s0;
	s1 =	sshll.u32 s1, $0x11  }
0xcc: {  	s0 =	sor.u32 s1, s0  }
0xcd: {  	s0 =	sadd.s32 $0x8F2B, s0  }
0xce: {  	[sflag:s0] =	ssyncadd.remote.s32 $0x1  }
0xcf: {  	_ =	sfence.sel $0xFFFF  }
0xd0: {  	[dreg:$0x0] =	wrdreg $0xFFFFFFFF;
	(pc) =	sbr.abs _section_cstart, $3  }
0xd1: {  	[dreg:$0x1] =	wrdreg $0xFFFFFFFF  }
0xd2: {  	_ =	task.clear_ibuf [dreg:s22], $0x2FFFF;
	_ =	strace $0x9FFFFFFF  }
0xd3: {  	(tm) =	ssettm $0x7FFFFFFF  }
tec
execute0_lowered:
.L_overlay_start_1:
0x0: {  	(tag) =	ssettag $0x1  }
0x1: {  	s0 =	rddreg [dreg:$0x0]  }
0x2: {  	s1 =	rddreg [dreg:$0x1];
	s3 =	srdreg.scid  }
0x3: {  	s2 =	rddreg [dreg:$0x2];
	s13 =	stileid.u32;
	s4 =	simm.s32 $0x0  }
0x4: {  	s17 =	simm.s32 $0x60;
	s18 =	simm.s32 $0x80;
	s28 =	simm.s32 $0x3  }
0x5: {  	s29 =	simm.s32 $0x2;
	s30 =	simm.s32 $0xB400;
	s31 =	simm.s32 $0x4  }
0x6: {  	s5 =	sand.u32 $0x1, s3;
	s7 =	smul.u32 $0x2400, s13;
	[smem:$0x7FF] =	sst s4  }
0x7: {  	s3 =	rddreg [dreg:$0x3];
	s8 =	sadd.s32 $0x499200, s0;
	s9 =	sadd.s32 $0x492E00, s0  }
0x8: {  	s19 =	sadd.s32 $0x492C00, s0;
	s12 =	sshll.u32 s13, $0x6;
	s11 =	smul.u32 $0x6000, s13  }
0x9: {  	s25 =	smul.u32 $0x24000, s13;
	_ =	strace $0x8000004A;
	[dreg:$0x5] =	wrdreg s9  }
0xa: {  	s6 =	smul.u32 $0x24000, s5;
	[dreg:$0x6] =	wrdreg s19;
	s20 =	ssub.s32 $0x2, s5  }
0xb: {  	s10 =	sshll.u32 s5, $0xA;
	s5 =	smul.u32 $0x240000, s5;
	s19 =	simm.s32 $0x2400  }
0xc: {  	s21 =	sshrl.u32 s20, $0x1;
	s10 =	sor.u32 s12, s10;
	s24 =	sshrl.u32 s11, $0x2  }
0xd: {  	s11 =	sor.u32 $0x1C05, s12;
	s12 =	sadd.s32 s12, s3;
	s6 =	sadd.s32 s7, s6  }
0xe: {  	s23 =	smul.u32 $0xC, s10;
	s10 =	sadd.s32 s24, s2;
	s5 =	sadd.s32 s5, s8  }
0xf: {  	s24 =	simm.s32 $0xE400;
	s7 =	sshrl.u32 s6, $0x3;
	s6 =	sshll.u32 s6, $0x4  }
0x10: {  	s26 =	sadd.s32 s25, s5;
	s25 =	simm.s32 $0x1;
	s5 =	simm.s32 $0x2300  }
0x11: {  	s7 =	sadd.s32 s7, s0;
	s0 =	sadd.s32 $0x492A00, s0;
	s22 =	sadd.s32 s8, s6  }
0x12: {  	s1 =	sadd.s32 s1, s23;
	s8 =	sadd.s32 $0x3000, s26;
	s23 =	sshrl.u32 s12, $0x3  }
0x13: {  	s26 =	simm.s32 $0x5400;
	s6 =	simm.s32 $0x2380;
	[dreg:$0x7] =	wrdreg s0  }
0x14: {  	s0 =	ssub.s32 s20, s21;
	[dreg:$0x8] =	wrdreg s22;
	s9 =	sadd.s32 $0x1000, s22  }
0x15: {  	s7 =	sadd.s32 $0xA00, s7;
	[dreg:$0xb] =	wrdreg s1;
	s20 =	simm.s32 $0x8400  }
0x16: {  	s21 =	sshrl.u32 s10, $0x3;
	s22 =	simm.s32 $0x5;
	[dreg:$0x9] =	wrdreg s9  }
0x17: {  	s1 =	simm.s32 $0x2200;
	[dreg:$0xa] =	wrdreg s7;
	s0 =	smax.u32 s0, $0x1  }
0x18: {  	s7 =	simm.s32 $0x0;
	[dreg:$0xc] =	wrdreg s0;
	s0 =	simm.s32 $0x2280  }
.LBB2_1:
0x19: {  	s9 =	rddreg [dreg:$0x8]  }
0x1a: {  	s15 =	rddreg [dreg:$0x9]  }
0x1b: {  	[tilespmem:s19], [sflag:$0x1] =	stream.strided.gather [hbm4b:s9+s17], $0x6000, s18, s17, $0x38;
	[tilespmem:$0xFD10] =	vst v63  }
0x1c: {  	s16 =	rddreg [dreg:$0x5]  }
0x1d: {  	[tilespmem:s20], [sflag:$0x2] =	stream.strided.gather [hbm4b:s15+s17], $0x6000, s18, s17, $0x38;
	[tilespmem:$0xFD10] =	vst v63  }
0x1e: {  	[spmem:s21], [sflag:s11] =	dma.local [hbm:s16], $0x300  }
0x1f: {  	_ =	swait.ge [sflag:s22], $0x300  }
0x20: {  	[sflag:s22] =	ssyncset.done $0x0  }
0x21: {  	s13 =	rddreg [dreg:$0x6];
	[sflag:s22] =	ssyncadd.s32 $0xFFFFFD00  }
0x22: {  	[spmem:s23], [sflag:s11] =	dma.local [hbm:s13], $0x8  }
0x23: {  	_ =	swait.ge [sflag:s22], $0x8  }
0x24: {  	[sflag:s22] =	ssyncset.done $0x0  }
0x25: {  	s14 =	rddreg [dreg:$0xa];
	[sflag:s22] =	ssyncadd.s32 $0xFFFFFFF8  }
0x26: {  	[tilespmem:s4], [sflag:$0x5] =	stream.linear.gather [hbm4b:s14+s4], $0x2400, $0x38;
	[tilespmem:$0xFD10] =	vst v63  }
0x27: {  	_ =	swait.ge [sflag:s22], $0x2400  }
0x28: {  	[sflag:s22] =	ssyncset.done $0x0  }
0x29: {  	s15 =	rddreg [dreg:$0x7];
	[sflag:s22] =	ssyncadd.s32 $0xFFFFDC00  }
0x2a: {  	[tilespmem:s24], [sflag:$0x5] =	stream.linear.gather [hbm4b:s15+s4], $0x80, $0x38;
	[tilespmem:$0xFD10] =	vst v63  }
0x2b: {  	_ =	swait.ge [sflag:s22], $0x80  }
0x2c: {  	[sflag:s22] =	ssyncset.done $0x0  }
0x2d: {  	[sflag:s22] =	ssyncadd.s32 $0xFFFFFF80  }
0x2e: {  	[bflag:$0x0] =	sbarrier.arrive $0xFFFF  }
0x2f: {  	_ =	swait.ge [sflag:s25], $0x6000  }
0x30: {  	[sflag:s25] =	ssyncset.done $0x0  }
0x31: {  	s16 =	simm.s32 $0x0;
	[sflag:s25] =	ssyncadd.s32 $0xFFFFA000  }
0x32: {  	[spmem:s2] =	stream.indirect.scatter.add.f32 [tilespmem:s19], [sflag:$0x3], $0x60, s16, s18, $0xb8;
	[tilespmem:$0xFD10] =	vst v63  }
0x33: {  	_ = 	snop  }
0x34: {  	[spmem:s3] =	stream.indirect.scatter.add.f32 [tilespmem:s24], [sflag:$0x3], $0x1, s16, s18, $0xb8;
	[tilespmem:$0xFD10] =	vst v63  }
0x35: {  	s13 =	simm.s32 $0x80  }
0x36: {  	[spmem:s2] =	stream.indirect.scatter.add.f32 [tilespmem:s26], [sflag:$0x3], $0x60, s13, s18, $0xb8;
	[tilespmem:$0xFD10] =	vst v63  }
0x37: {  	_ = 	snop  }
0x38: {  	[spmem:s3] =	stream.indirect.scatter.add.f32 [tilespmem:s24], [sflag:$0x3], $0x1, s13, s18, $0xb8;
	[tilespmem:$0xFD10] =	vst v63  }
0x39: {  	_ =	swait.ge [sflag:s28], $0x3000  }
0x3a: {  	[sflag:s28] =	ssyncset.done $0x0  }
0x3b: {  	[sflag:s28] =	ssyncadd.s32 $0xFFFFD000  }
0x3c: {  	_ =	swait.ge [sflag:s28], $0x80  }
0x3d: {  	[sflag:s28] =	ssyncset.done $0x0  }
0x3e: {  	[sflag:s28] =	ssyncadd.s32 $0xFFFFFF80  }
0x3f: {  	_ =	swait.ge [sflag:s28], $0x3000  }
0x40: {  	[sflag:s28] =	ssyncset.done $0x0  }
0x41: {  	[sflag:s28] =	ssyncadd.s32 $0xFFFFD000  }
0x42: {  	_ =	swait.ge [sflag:s28], $0x80  }
0x43: {  	[sflag:s28] =	ssyncset.done $0x0  }
0x44: {  	s14 =	sadd.s32 $0xFFFFF000, s8;
	[sflag:s28] =	ssyncadd.s32 $0xFFFFFF80  }
0x45: {  	[tilespmem:s19], [sflag:$0x1] =	stream.strided.gather [hbm4b:s14+s17], $0x6000, s18, s17, $0x38;
	[tilespmem:$0xFD10] =	vst v63  }
0x46: {  	_ =	swait.ge [sflag:s29], $0x6000  }
0x47: {  	[sflag:s29] =	ssyncset.done $0x0  }
0x48: {  	s15 =	simm.s32 $0x100;
	[sflag:s29] =	ssyncadd.s32 $0xFFFFA000  }
0x49: {  	[spmem:s2] =	stream.indirect.scatter.add.f32 [tilespmem:s20], [sflag:$0x4], $0x60, s15, s18, $0xb8;
	[tilespmem:$0xFD10] =	vst v63  }
0x4a: {  	_ = 	snop  }
0x4b: {  	[spmem:s3] =	stream.indirect.scatter.add.f32 [tilespmem:s24], [sflag:$0x4], $0x1, s15, s18, $0xb8;
	[tilespmem:$0xFD10] =	vst v63  }
0x4c: {  	s16 =	simm.s32 $0x180  }
0x4d: {  	[spmem:s2] =	stream.indirect.scatter.add.f32 [tilespmem:s30], [sflag:$0x4], $0x60, s16, s18, $0xb8;
	[tilespmem:$0xFD10] =	vst v63  }
0x4e: {  	_ = 	snop  }
0x4f: {  	[spmem:s3] =	stream.indirect.scatter.add.f32 [tilespmem:s24], [sflag:$0x4], $0x1, s16, s18, $0xb8;
	[tilespmem:$0xFD10] =	vst v63  }
0x50: {  	_ =	swait.ge [sflag:s31], $0x3000  }
0x51: {  	[sflag:s31] =	ssyncset.done $0x0  }
0x52: {  	[sflag:s31] =	ssyncadd.s32 $0xFFFFD000  }
0x53: {  	_ =	swait.ge [sflag:s31], $0x80  }
0x54: {  	[sflag:s31] =	ssyncset.done $0x0  }
0x55: {  	[sflag:s31] =	ssyncadd.s32 $0xFFFFFF80  }
0x56: {  	_ =	swait.ge [sflag:s31], $0x3000  }
0x57: {  	[sflag:s31] =	ssyncset.done $0x0  }
0x58: {  	[sflag:s31] =	ssyncadd.s32 $0xFFFFD000  }
0x59: {  	_ =	swait.ge [sflag:s31], $0x80  }
0x5a: {  	s9 =	simm.s32 $0x800;
	[sflag:s31] =	ssyncset.done $0x0  }
0x5b: {  	s13 =	sadd.s32 $0x2000, s8;
	s16 =	smov.u32 s8;
	[sflag:s31] =	ssyncadd.s32 $0xFFFFFF80  }
.LBB2_2:
0x5c: {  	[tilespmem:s20], [sflag:$0x2] =	stream.strided.gather [hbm4b:s16+s17], $0x6000, s18, s17, $0x38;
	[tilespmem:$0xFD10] =	vst v63  }
0x5d: {  	s14 =	smov.u32 s9;
	s16 =	smov.u32 s13  }
0x5e: {  	p0 =	sne.s32 s9, $0x8000;
	s9 =	sadd.s32 $0x800, s9;
	_ =	swait.ge [sflag:s25], $0x6000  }
0x5f: {  	[sflag:s25] =	ssyncset.done $0x0  }
0x60: {  	s14 =	sshra.s32 s14, $0x2;
	[sflag:s25] =	ssyncadd.s32 $0xFFFFA000  }
0x61: {  	[spmem:s2] =	stream.indirect.scatter.add.f32 [tilespmem:s19], [sflag:$0x3], $0x60, s14, s18, $0xb8;
	[tilespmem:$0xFD10] =	vst v63  }
0x62: {  	_ = 	snop  }
0x63: {  	[spmem:s3] =	stream.indirect.scatter.add.f32 [tilespmem:s24], [sflag:$0x3], $0x1, s14, s18, $0xb8;
	[tilespmem:$0xFD10] =	vst v63  }
0x64: {  	s15 =	sadd.s32 $0x80, s14  }
0x65: {  	[spmem:s2] =	stream.indirect.scatter.add.f32 [tilespmem:s26], [sflag:$0x3], $0x60, s15, s18, $0xb8;
	[tilespmem:$0xFD10] =	vst v63  }
0x66: {  	_ = 	snop  }
0x67: {  	[spmem:s3] =	stream.indirect.scatter.add.f32 [tilespmem:s24], [sflag:$0x3], $0x1, s15, s18, $0xb8;
	[tilespmem:$0xFD10] =	vst v63  }
0x68: {  	_ =	swait.ge [sflag:s28], $0x3000  }
0x69: {  	[sflag:s28] =	ssyncset.done $0x0  }
0x6a: {  	[sflag:s28] =	ssyncadd.s32 $0xFFFFD000  }
0x6b: {  	_ =	swait.ge [sflag:s28], $0x80  }
0x6c: {  	[sflag:s28] =	ssyncset.done $0x0  }
0x6d: {  	[sflag:s28] =	ssyncadd.s32 $0xFFFFFF80  }
0x6e: {  	_ =	swait.ge [sflag:s28], $0x3000  }
0x6f: {  	[sflag:s28] =	ssyncset.done $0x0  }
0x70: {  	[sflag:s28] =	ssyncadd.s32 $0xFFFFD000  }
0x71: {  	_ =	swait.ge [sflag:s28], $0x80  }
0x72: {  	[sflag:s28] =	ssyncset.done $0x0  }
0x73: {  	s15 =	sadd.s32 $0xFFFFF000, s13;
	[sflag:s28] =	ssyncadd.s32 $0xFFFFFF80  }
0x74: {  	[tilespmem:s19], [sflag:$0x1] =	stream.strided.gather [hbm4b:s15+s17], $0x6000, s18, s17, $0x38;
	[tilespmem:$0xFD10] =	vst v63  }
0x75: {  	_ =	swait.ge [sflag:s29], $0x6000  }
0x76: {  	[sflag:s29] =	ssyncset.done $0x0  }
0x77: {  	s15 =	sadd.s32 $0x100, s14;
	[sflag:s29] =	ssyncadd.s32 $0xFFFFA000  }
0x78: {  	[spmem:s2] =	stream.indirect.scatter.add.f32 [tilespmem:s20], [sflag:$0x4], $0x60, s15, s18, $0xb8;
	[tilespmem:$0xFD10] =	vst v63  }
0x79: {  	_ = 	snop  }
0x7a: {  	[spmem:s3] =	stream.indirect.scatter.add.f32 [tilespmem:s24], [sflag:$0x4], $0x1, s15, s18, $0xb8;
	[tilespmem:$0xFD10] =	vst v63  }
0x7b: {  	s14 =	sadd.s32 $0x180, s14  }
0x7c: {  	[spmem:s2] =	stream.indirect.scatter.add.f32 [tilespmem:s30], [sflag:$0x4], $0x60, s14, s18, $0xb8;
	[tilespmem:$0xFD10] =	vst v63  }
0x7d: {  	_ = 	snop  }
0x7e: {  	[spmem:s3] =	stream.indirect.scatter.add.f32 [tilespmem:s24], [sflag:$0x4], $0x1, s14, s18, $0xb8;
	[tilespmem:$0xFD10] =	vst v63  }
0x7f: {  	_ =	swait.ge [sflag:s31], $0x3000  }
0x80: {  	[sflag:s31] =	ssyncset.done $0x0  }
0x81: {  	[sflag:s31] =	ssyncadd.s32 $0xFFFFD000  }
0x82: {  	_ =	swait.ge [sflag:s31], $0x80  }
0x83: {  	[sflag:s31] =	ssyncset.done $0x0  }
0x84: {  	[sflag:s31] =	ssyncadd.s32 $0xFFFFFF80  }
0x85: {  	_ =	swait.ge [sflag:s31], $0x3000  }
.Ltmp0:
0x86: {  	[sflag:s31] =	ssyncset.done $0x0;
	(pc) =	sbr.rel @p0 .LBB2_2-.Ltmp0, $4  }
0x87: {  	[sflag:s31] =	ssyncadd.s32 $0xFFFFD000  }
0x88: {  	_ =	swait.ge [sflag:s31], $0x80  }
0x89: {  	[sflag:s31] =	ssyncset.done $0x0  }
0x8a: {  	s13 =	sadd.s32 $0x2000, s13;
	[sflag:s31] =	ssyncadd.s32 $0xFFFFFF80  }
0x8b: {  	[tilespmem:s20], [sflag:$0x2] =	stream.strided.gather [hbm4b:s16+s17], $0x6000, s18, s17, $0x38;
	[tilespmem:$0xFD10] =	vst v63  }
0x8c: {  	_ =	swait.ge [sflag:s25], $0x6000  }
0x8d: {  	[sflag:s25] =	ssyncset.done $0x0  }
0x8e: {  	[sflag:s25] =	ssyncadd.s32 $0xFFFFA000  }
0x8f: {  	[spmem:s2] =	stream.indirect.scatter.add.f32 [tilespmem:s19], [sflag:$0x3], $0x60, s1, s18, $0xb8;
	[tilespmem:$0xFD10] =	vst v63  }
0x90: {  	_ = 	snop  }
0x91: {  	[spmem:s3] =	stream.indirect.scatter.add.f32 [tilespmem:s24], [sflag:$0x3], $0x1, s1, s18, $0xb8;
	[tilespmem:$0xFD10] =	vst v63  }
0x92: {  	_ = 	snop  }
0x93: {  	[spmem:s2] =	stream.indirect.scatter.add.f32 [tilespmem:s26], [sflag:$0x3], $0x60, s0, s18, $0xb8;
	[tilespmem:$0xFD10] =	vst v63  }
0x94: {  	_ = 	snop  }
0x95: {  	[spmem:s3] =	stream.indirect.scatter.add.f32 [tilespmem:s24], [sflag:$0x3], $0x1, s0, s18, $0xb8;
	[tilespmem:$0xFD10] =	vst v63  }
0x96: {  	_ =	swait.ge [sflag:s28], $0x3000  }
0x97: {  	[sflag:s28] =	ssyncset.done $0x0  }
0x98: {  	[sflag:s28] =	ssyncadd.s32 $0xFFFFD000  }
0x99: {  	_ =	swait.ge [sflag:s28], $0x80  }
0x9a: {  	[sflag:s28] =	ssyncset.done $0x0  }
0x9b: {  	[sflag:s28] =	ssyncadd.s32 $0xFFFFFF80  }
0x9c: {  	_ =	swait.ge [sflag:s28], $0x3000  }
0x9d: {  	[sflag:s28] =	ssyncset.done $0x0  }
0x9e: {  	[sflag:s28] =	ssyncadd.s32 $0xFFFFD000  }
0x9f: {  	_ =	swait.ge [sflag:s28], $0x80  }
0xa0: {  	[sflag:s28] =	ssyncset.done $0x0  }
0xa1: {  	[sflag:s28] =	ssyncadd.s32 $0xFFFFFF80  }
0xa2: {  	_ =	swait.ge [sflag:s29], $0x6000  }
0xa3: {  	[sflag:s29] =	ssyncset.done $0x0  }
0xa4: {  	[sflag:s29] =	ssyncadd.s32 $0xFFFFA000  }
0xa5: {  	[spmem:s2] =	stream.indirect.scatter.add.f32 [tilespmem:s20], [sflag:$0x4], $0x60, s5, s18, $0xb8;
	[tilespmem:$0xFD10] =	vst v63  }
0xa6: {  	_ = 	snop  }
0xa7: {  	[spmem:s3] =	stream.indirect.scatter.add.f32 [tilespmem:s24], [sflag:$0x4], $0x1, s5, s18, $0xb8;
	[tilespmem:$0xFD10] =	vst v63  }
0xa8: {  	_ = 	snop  }
0xa9: {  	[spmem:s2] =	stream.indirect.scatter.add.f32 [tilespmem:s30], [sflag:$0x4], $0x60, s6, s18, $0xb8;
	[tilespmem:$0xFD10] =	vst v63  }
0xaa: {  	_ = 	snop  }
0xab: {  	[spmem:s3] =	stream.indirect.scatter.add.f32 [tilespmem:s24], [sflag:$0x4], $0x1, s6, s18, $0xb8;
	[tilespmem:$0xFD10] =	vst v63  }
0xac: {  	_ =	swait.ge [sflag:s31], $0x3000  }
0xad: {  	[sflag:s31] =	ssyncset.done $0x0  }
0xae: {  	[sflag:s31] =	ssyncadd.s32 $0xFFFFD000  }
0xaf: {  	_ =	swait.ge [sflag:s31], $0x80  }
0xb0: {  	[sflag:s31] =	ssyncset.done $0x0  }
0xb1: {  	[sflag:s31] =	ssyncadd.s32 $0xFFFFFF80  }
0xb2: {  	_ =	swait.ge [sflag:s31], $0x3000  }
0xb3: {  	[sflag:s31] =	ssyncset.done $0x0  }
0xb4: {  	[sflag:s31] =	ssyncadd.s32 $0xFFFFD000  }
0xb5: {  	_ =	swait.ge [sflag:s31], $0x80  }
0xb6: {  	[sflag:s31] =	ssyncset.done $0x0  }
0xb7: {  	[sflag:s31] =	ssyncadd.s32 $0xFFFFFF80  }
0xb8: {  	s9 =	simm.s32 $0xE480;
	[bflag:$0x0] =	sbarrier.arrive $0xFFFF  }
0xb9: {  	[tilespmem:s9], [sflag:$0x5] =	stream.linear.gather [spmem:s12], $0x40, $0x38;
	[tilespmem:$0xFD10] =	vst v63  }
0xba: {  	_ =	swait.ge [sflag:s22], $0x40  }
0xbb: {  	[sflag:s22] =	ssyncset.done $0x0  }
0xbc: {  	[sflag:s22] =	ssyncadd.s32 $0xFFFFFFC0  }
0xbd: {  	[tilespmem:s19], [sflag:$0x5] =	stream.linear.gather [spmem:s10], $0x1800, $0x38;
	[tilespmem:$0xFD10] =	vst v63  }
0xbe: {  	_ =	swait.ge [sflag:s22], $0x1800  }
0xbf: {  	[sflag:s22] =	ssyncset.done $0x0  }
0xc0: {  	[sflag:s22] =	ssyncadd.s32 $0xFFFFE800  }
0xc1: {  	v0 =	vld [tilespmem:$0xE480]  }
0xc2: {  	v1 =	vld [tilespmem:$0xE490]  }
0xc3: {  	v2 =	vld [tilespmem:$0xE4A0]  }
0xc4: {  	v3 =	vld [tilespmem:$0xE4B0];
	_ =	sdelay $0x1  }
0xc5: {  	(erf) = vrcp.f32 v0  }
0xc6: {  	(erf) = vrcp.f32 v1  }
0xc7: {  	(erf) = vrcp.f32 v2  }
0xc8: {  	(erf) = vrcp.f32 v3;
	_ =	sdelay $0x5  }
0xc9: {  	v0 =	vpop (erf)  }
0xca: {  	v1 =	vpop (erf);
	[tilespmem:$0xE480] =	vst v0  }
0xcb: {  	v0 =	vpop (erf);
	[tilespmem:$0xE490] =	vst v1  }
0xcc: {  	[tilespmem:$0xE4A0] =	vst v0;
	v0 =	vpop (erf)  }
0xcd: {  	s9 =	simm.s32 $0x2430;
	[tilespmem:$0xE4B0] =	vst v0  }
0xce: {  	s13 =	simm.s32 $0x0;
	v4 =	vld [tilespmem:s9+$0x20]  }
0xcf: {  	v0 =	vld.msk [tilespmem:s13+$0xE480 ss:$0x0], $0xffff  }
0xd0: {  	v2 =	vld [tilespmem:s9+$0xFFFFFFF0]  }
0xd1: {  	v3 =	vld [tilespmem:s9+$0xFFFFFFD0]  }
0xd2: {  	v5 =	vld [tilespmem:s9+$0x0]  }
0xd3: {  	v1 =	vld [tilespmem:s9+$0x10]  }
0xd4: {  	v6 =	vmul.f32 v4, v0;
	v4 =	vld [tilespmem:s9+$0xFFFFFFE0];
	_ =	sdelay $0x1  }
0xd5: {  	v3 =	vmul.f32 v0, v3  }
0xd6: {  	s16 =	simm.s32 $0x2430;
	s13 =	simm.s32 $0x4;
	v2 =	vmul.f32 v2, v0;
	v5 =	vmul.f32 v5, v0  }
.LBB2_4:
0xd7: {  	p0 =	sne.s32 s13, $0xFC  }
0xd8: {  	v4 =	vmul.f32 v4, v0;
	v0 =	vmul.f32 v1, v0;
	[tilespmem:s9+$0x20] =	vst v6;
	s16 =	sadd.s32 $0x60, s16;
	s14 =	smov.u32 s13;
	s13 =	sadd.s32 $0x4, s13  }
0xd9: {  	[tilespmem:s9+$0xFFFFFFD0] =	vst v3  }
0xda: {  	[tilespmem:s9+$0x0] =	vst v5  }
0xdb: {  	v5 =	vld [tilespmem:s16+$0xFFFFFFF0];
	[tilespmem:s9+$0xFFFFFFF0] =	vst v2  }
0xdc: {  	v2 =	vld [tilespmem:s16+$0x20];
	[tilespmem:s9+$0x10] =	vst v0  }
0xdd: {  	s14 =	sshra.s32 s14, $0x2;
	v7 =	vld [tilespmem:s16+$0x0];
	[tilespmem:s9+$0xFFFFFFE0] =	vst v4;
	s9 =	smov.u32 s16  }
0xde: {  	v0 =	vld.msk [tilespmem:s14+$0xE480 ss:$0x0], $0xffff  }
0xdf: {  	v3 =	vld [tilespmem:s16+$0xFFFFFFD0]  }
0xe0: {  	v1 =	vld [tilespmem:s16+$0x10]  }
.Ltmp1:
0xe1: {  	v4 =	vld [tilespmem:s16+$0xFFFFFFE0];
	(pc) =	sbr.rel @p0 .LBB2_4-.Ltmp1, $3  }
0xe2: {  	_ =	sdelay $0x1  }
0xe3: {  	v6 =	vmul.f32 v2, v0;
	v3 =	vmul.f32 v0, v3  }
0xe4: {  	v2 =	vmul.f32 v5, v0;
	v5 =	vmul.f32 v7, v0  }
0xe5: {  	[tilespmem:s9+$0x20] =	vst v6  }
0xe6: {  	[tilespmem:s9+$0xFFFFFFD0] =	vst v3  }
0xe7: {  	v1 =	vmul.f32 v1, v0;
	[tilespmem:s9+$0x0] =	vst v5  }
0xe8: {  	v63 =	vmul.f32 v4, v0;
	[tilespmem:s9+$0xFFFFFFF0] =	vst v2  }
0xe9: {  	[tilespmem:s9+$0x10] =	vst v1  }
0xea: {  	s15 =	rddreg [dreg:$0xb];
	[tilespmem:s9+$0xFFFFFFE0] =	vst v63  }
0xeb: {  	[hbm4b:s15+s4] =	stream.linear.scatter [tilespmem:s19], [sflag:$0x5], $0x1800, $0x38;
	[tilespmem:$0xFD10] =	vst v63  }
0xec: {  	_ =	swait.ge [sflag:s22], $0x1800  }
0xed: {  	s7 =	sadd.s32 $0x1, s7;
	s16 =	rddreg [dreg:$0xc]  }
0xee: {  	p0 =	sne.s32 s7, s16  }
.Ltmp2:
0xef: {  	_ = 	snop;
	(pc) =	sbr.rel @p0 .LBB2_1-.Ltmp2, $3  }
0xf0: {  	_ =	sdelay $0x1  }
0xf1: {  	[sflag:s22] =	ssyncset.done $0x0  }
0xf2: {  	[sflag:s22] =	ssyncadd.s32 $0xFFFFE800  }
0xf3: {  	_ =	sfence.sel $0x180000  }
0xf4: {  	[bflag:$0x0] =	sbarrier.arrive $0xFFFF  }
0xf5: {  	_ =	strace $0x9000004A  }
0xf6: {  	s0 =	stileid.u32;
	[bflag:$0x2] =	sbarrier.arrive $0xFFFF  }
0xf7: {  	p0 =	sne.s32 s0, $0x0;
	s0 =	rddreg [dreg:$0x4]  }
0xf8: {  	s0 =	sadd.s32 @!p0 $0x100000, s0  }
0xf9: {  	[sflag:s0] =	ssyncadd.tile.s32 @!p0 $0x1;
	_ =	shalt  }
.Lfunc_end2:
_tile_overlayer_lowered:
.L_overlay_start_2:
0xfa: {  	(tag) =	ssettag $0x2  }
0xfb: {  	s0 =	rddreg [dreg:$0x0];
	s2 =	stileid.u32  }
0xfc: {  	s1 =	rddreg [dreg:$0x1];
	p0 =	sne.s32 s2, $0x0  }
0xfd: {  	s3 =	rddreg [dreg:$0x2];
	[bflag:$0x3] =	sbarrier.arrive $0xFFFF;
	s2 =	simm.s32 @!p0 $0x1C05  }
0xfe: {  	[timem:s3], [sflag:s2] =	dma.local @!p0 [hbm:s0], s1  }
0xff: {  	s0 =	simm.s32 @!p0 $0x5  }
0x100: {  	_ =	swait.ge @!p0 [sflag:s0], s1  }
0x101: {  	s1 =	ssub.s32 @!p0 $0x0, s1;
	[sflag:s0] =	ssyncset.done @!p0 $0x0  }
0x102: {  	[sflag:s0] =	ssyncadd.s32 @!p0 s1  }
0x103: {  	[bflag:$0x3] =	sbarrier.arrive $0xFFFF  }
0x104: {  	_ =	shalt  }

// kernel: segment_mean_h1.3.cloned.1.call-start
scs
__scs_entry_jumppad:
0x0: {  	(pc) =	sbr.rel $0x88, $3  }
0x1: {  	(tag) =	ssettag $0x0;
	lr =	simm.s32 $0x1  }
0x2: {  	[smem:$0x3F9F] =	sst lr;
	_ =	strace $0xD0000000  }
0x3: {  	_ = 	snop  }
0x4: {  	_ = 	snop  }
0x5: {  	_ = 	snop  }
0x6: {  	_ = 	snop  }
0x7: {  	_ = 	snop  }
__scs_overlays_trampoline_lowered:
0x8: {  	[smem:$0x3FAE] =	sst s0  }
0x9: {  	[smem:$0x3FAF] =	sst s1  }
0xa: {  	[smem:$0x3FB0] =	sst s2  }
0xb: {  	[smem:$0x3FB1] =	sst s3  }
0xc: {  	[smem:$0x3FB2] =	sst s4  }
0xd: {  	[smem:$0x3FB3] =	sst s5  }
0xe: {  	[smem:$0x3FB4] =	sst s6  }
0xf: {  	[smem:$0x3FB5] =	sst s7  }
0x10: {  	[smem:$0x3FB6] =	sst s8  }
0x11: {  	[smem:$0x3FB7] =	sst s9;
	s0 =	simm.s32 @!p0 $0x0  }
0x12: {  	s1 =	sld [smem:$0x3F9D];
	s0 =	simm.s32 @p0 $0x1  }
0x13: {  	[smem:$0x3FB8] =	sst s0;
	s0 =	simm.s32 @!p1 $0x0  }
0x14: {  	s2 =	sld [smem:$0x3F9C];
	s0 =	simm.s32 @p1 $0x1  }
0x15: {  	[smem:$0x3FB9] =	sst s0;
	s0 =	simm.s32 @!p2 $0x0  }
0x16: {  	s3 =	sld [smem:$0x3FDB];
	s0 =	simm.s32 @p2 $0x1  }
0x17: {  	s4 =	simm.s32 $0x1BF5;
	[smem:$0x3FBB] =	sst s0  }
0x18: {  	s0 =	sld [smem:$0x3F9E];
	_ =	swait.ge [sflag:s4], $0x0  }
0x19: {  	s7 =	sld [smem:$0x3F9F]  }
0x1a: {  	s8 =	sadd.s32 $0xFFFFE003, lr  }
0x1b: {  	s9 =	sadd.s32 $0xFFFFFEF7, lr;
	s5 =	simm.s32 $0xFFFFFFFF;
	p2 =	slt.u32 s8, $0xFFFFF086  }
0x1c: {  	p1 =	slt.u32 s9, $0xF7A;
	s5 =	simm.s32 @!p2 $0x0  }
0x1d: {  	s5 =	simm.s32 @p1 $0x1;
	p0 =	seq.s32 s7, s2  }
0x1e: {  	s7 =	smul.u32 @!p0 $0xF7A, s2;
	p2 =	seq.s32 @!p0 s5, $0x0  }
0x1f: {  	s9 =	smul.u32 $0xF7A, s1;
	s8 =	simm.s32 @!p0 $0x1BF5;
	p2 =	por !p2, p0  }
0x20: {  	[sflag:s8] =	ssyncset.s32 @!p0 $0xFFFFF086;
	s6 =	sadd.s32 @!p0 s3, s7;
	s7 =	simm.s32 @!p0 $0x108  }
0x21: {  	s3 =	sadd.s32 s3, s9;
	s6 =	sadd.s32 @!p0 $0x88, s6;
	s7 =	simm.s32 @p2 $0x1082  }
0x22: {  	[simem:s7], [sflag:s8] =	dma.local @!p0 [hbm:s6], $0xF7A  }
0x23: {  	s9 =	sor.u32 $0xD0000000, s2;
	s6 =	simm.s32 $0x108;
	_ =	swait.ge @!p0 [sflag:s8], $0x0  }
0x24: {  	s3 =	sadd.s32 $0x88, s3;
	s6 =	simm.s32 @!p1 $0x1082;
	[sflag:s4] =	ssyncset.s32 $0xFFFFF086  }
0x25: {  	[simem:s6], [sflag:s4] =	dma.local [hbm:s3], $0xF7A  }
0x26: {  	[smem:$0x3F9F] =	sst s1;
	(tag) =	ssettag s2;
	_ =	strace s9  }
0x27: {  	s1 =	sld [smem:$0x3FAF]  }
0x28: {  	s2 =	sld [smem:$0x3FB0]  }
0x29: {  	s4 =	sld [smem:$0x3FB2]  }
0x2a: {  	p0 =	seq.s32 s5, $0x0;
	s5 =	sld [smem:$0x3FB3]  }
0x2b: {  	s6 =	sld [smem:$0x3FB4]  }
0x2c: {  	s7 =	sld [smem:$0x3FB5]  }
0x2d: {  	s3 =	simm.s32 $0x108;
	s8 =	sld [smem:$0x3FB6]  }
0x2e: {  	s3 =	simm.s32 @!p0 $0x1082;
	s9 =	sld [smem:$0x3FB7]  }
0x2f: {  	lr =	sadd.s32 s0, s3;
	s0 =	sld [smem:$0x3FAE]  }
0x30: {  	s3 =	sld [smem:$0x3FB1]  }
0x31: {  	[smem:$0x3FBA] =	sst s10  }
0x32: {  	s10 =	sld [smem:$0x3FB8];
	_ =	sdelay $0x3  }
0x33: {  	p0 =	seq.s32 s10, $0x1;
	s10 =	sld [smem:$0x3FBA];
	_ =	sdelay $0x3  }
0x34: {  	[smem:$0x3FBA] =	sst s10  }
0x35: {  	s10 =	sld [smem:$0x3FB9];
	_ =	sdelay $0x3  }
0x36: {  	p1 =	seq.s32 s10, $0x1;
	s10 =	sld [smem:$0x3FBA];
	_ =	sdelay $0x3  }
0x37: {  	[smem:$0x3FBA] =	sst s10  }
0x38: {  	s10 =	sld [smem:$0x3FBB]  }
0x39: {  	_ = 	snop;
	(pc) =	sbr.ind lr, $3  }
0x3a: {  	_ = 	snop  }
0x3b: {  	_ = 	snop  }
0x3c: {  	p2 =	seq.s32 s10, $0x1;
	s10 =	sld [smem:$0x3FBA]  }
0x3d: {  	_ =	shalt  }
0x3e: {  	_ =	shalt  }
0x3f: {  	_ =	shalt  }
0x40: {  	_ =	shalt  }
0x41: {  	_ =	shalt  }
0x42: {  	_ =	shalt  }
0x43: {  	_ =	shalt  }
0x44: {  	_ =	shalt  }
0x45: {  	_ =	shalt  }
0x46: {  	_ =	shalt  }
0x47: {  	_ =	shalt  }
0x48: {  	_ =	shalt  }
0x49: {  	_ =	shalt  }
0x4a: {  	_ =	shalt  }
0x4b: {  	_ =	shalt  }
0x4c: {  	_ =	shalt  }
0x4d: {  	_ =	shalt  }
0x4e: {  	_ =	shalt  }
0x4f: {  	_ =	shalt  }
0x50: {  	_ =	shalt  }
0x51: {  	_ =	shalt  }
0x52: {  	_ =	shalt  }
0x53: {  	_ =	shalt  }
0x54: {  	_ =	shalt  }
0x55: {  	_ =	shalt  }
0x56: {  	_ =	shalt  }
0x57: {  	_ =	shalt  }
0x58: {  	_ =	shalt  }
0x59: {  	_ =	shalt  }
0x5a: {  	_ =	shalt  }
0x5b: {  	_ =	shalt  }
0x5c: {  	_ =	shalt  }
0x5d: {  	_ =	shalt  }
0x5e: {  	_ =	shalt  }
0x5f: {  	_ =	shalt  }
0x60: {  	_ =	shalt  }
0x61: {  	_ =	shalt  }
0x62: {  	_ =	shalt  }
0x63: {  	_ =	shalt  }
0x64: {  	_ =	shalt  }
0x65: {  	_ =	shalt  }
0x66: {  	_ =	shalt  }
0x67: {  	_ =	shalt  }
0x68: {  	_ =	shalt  }
0x69: {  	_ =	shalt  }
0x6a: {  	_ =	shalt  }
0x6b: {  	_ =	shalt  }
0x6c: {  	_ =	shalt  }
0x6d: {  	_ =	shalt  }
0x6e: {  	_ =	shalt  }
0x6f: {  	_ =	shalt  }
0x70: {  	_ =	shalt  }
0x71: {  	_ =	shalt  }
0x72: {  	_ =	shalt  }
0x73: {  	_ =	shalt  }
0x74: {  	_ =	shalt  }
0x75: {  	_ =	shalt  }
0x76: {  	_ =	shalt  }
0x77: {  	_ =	shalt  }
0x78: {  	_ =	shalt  }
0x79: {  	_ =	shalt  }
0x7a: {  	_ =	shalt  }
0x7b: {  	_ =	shalt  }
0x7c: {  	_ =	shalt  }
0x7d: {  	_ =	shalt  }
0x7e: {  	_ =	shalt  }
0x7f: {  	_ =	shalt  }
0x80: {  	_ =	shalt  }
0x81: {  	_ =	shalt  }
0x82: {  	_ =	shalt  }
0x83: {  	_ =	shalt  }
0x84: {  	_ =	shalt  }
0x85: {  	_ =	shalt  }
0x86: {  	_ =	shalt  }
0x87: {  	_ =	shalt  }
.Lfunc_end0:
.L_simem_size_0:
called_computation.1_lowered:
.L_overlay_start_0:
0x88: {  	s2 =	sld [smem:$0x3FD9]  }
0x89: {  	s3 =	sld [smem:$0x3FFE];
	_ =	sdelay $0x1  }
0x8a: {  	s1 =	srdreg.scid  }
0x8b: {  	s0 =	sand.u32 $0x1, s1  }
0x8c: {  	s16 =	sshll.u32 s0, $0xA;
	s2 =	sadd.s32 s3, s2  }
0x8d: {  	s2 =	sadd.s32 s2, s16  }
0x8e: {  	[smem:$0x3FC6] =	sst s2  }
0x8f: {  	_ = 	snop  }
0x90: {  	(tm) =	ssettm $0x1  }
0x91: {  	s17 =	sld [smem:$0x3FFB];
	_ =	sdelay $0x3  }
0x92: {  	_ =	strace s17  }
0x93: {  	s2 =	sld [smem:$0x3FFC];
	_ =	sdelay $0x3  }
0x94: {  	_ =	strace s2  }
0x95: {  	s2 =	sld [smem:$0x3FFD];
	_ =	sdelay $0x3  }
0x96: {  	_ =	strace s2  }
0x97: {  	_ =	strace $0x8FFFFFFF  }
0x98: {  	s18 =	sld [smem:$0x3FDB];
	_ =	sdelay $0x1  }
0x99: {  	s19 =	simm.s32 $_scs_section_size  }
0x9a: {  	s4 =	simm.s32 $_size__tile_overlayer_lowered;
	s5 =	simm.s32 $_tile_overlayer_lowered  }
0x9b: {  	s22 =	simm.s32 $0x1BFF;
	s21 =	sshll.u32 s5, $0x1;
	s2 =	sadd.s32 s19, s18  }
0x9c: {  	s6 =	simm.s32 $0x0;
	s20 =	sshll.u32 s4, $0x1;
	s4 =	sadd.s32 s21, s2  }
0x9d: {  	[timem:s6], [sflag:s22] =	dma.local [hbm:s4], s20  }
0x9e: {  	_ =	swait.ge [sflag:s22], s20  }
0x9f: {  	s3 =	ssub.s32 $0x0, s20;
	[sflag:s22] =	ssyncset.done $0x0  }
0xa0: {  	[sflag:s22] =	ssyncadd.s32 s3;
	_ =	sdelay $0x1  }
0xa1: {  	s23 =	simm.s32 $0x1B8B  }
0xa2: {  	_ =	swait.ge [sflag:s23], $0x1  }
0xa3: {  	[sflag:s23] =	ssyncset.done $0x0  }
0xa4: {  	s25 =	simm.s32 $0x1B8E;
	s24 =	sld [smem:$0x3FFE];
	[sflag:s23] =	ssyncadd.s32 $0xFFFFFFFF  }
0xa5: {  	s26 =	simm.s32 $execute0_lowered;
	[smem:$0x3FD2] =	sst s25  }
0xa6: {  	s4 =	sshll.u32 s26, $0x1;
	_ =	strace $0x80000046;
	[dreg:$0x1] =	wrdreg $0xFFFFFFFF  }
0xa7: {  	s28 =	simm.s32 $_size_execute0_lowered;
	s2 =	sadd.s32 s2, s4;
	[dreg:$0x0] =	wrdreg $0x0  }
0xa8: {  	s4 =	sshll.u32 s28, $0x1;
	[dreg:$0x2] =	wrdreg s2  }
0xa9: {  	[dreg:$0x3] =	wrdreg s4  }
0xaa: {  	[dreg:$0x4] =	wrdreg $0xC0  }
0xab: {  	_ =	task [dreg:s6], $0x5FFFF  }
0xac: {  	[dreg:$0x1] =	wrdreg $0xFFFFFFFF  }
0xad: {  	[dreg:$0x0] =	wrdreg $0x60  }
0xae: {  	[dreg:$0x2] =	wrdreg s24  }
0xaf: {  	[dreg:$0x3] =	wrdreg $0xE4D00  }
0xb0: {  	[dreg:$0x4] =	wrdreg $0xFCD00  }
0xb1: {  	[dreg:$0x5] =	wrdreg $0xA  }
0xb2: {  	_ =	task.clear_ibuf [dreg:s6], $0x6FFFF;
	_ =	strace $0x90000046  }
0xb3: {  	s29 =	simm.s32 $0xA;
	_ =	strace $0x80000048  }
0xb4: {  	_ =	swait.ge [sflag:s29], $0x1  }
0xb5: {  	[sflag:s29] =	ssyncadd.s32 $0xFFFFFFFF  }
0xb6: {  	_ =	strace $0x90000048  }
0xb7: {  	_ =	sfence  }
0xb8: {  	s30 =	sld [smem:$0x0];
	_ =	sdelay $0x2  }
0xb9: {  	s31 =	sshll.u32 s1, $0xD;
	s1 =	sshrl.u32 s1, $0x2  }
0xba: {  	s3 =	sand.u32 $0x4000, s31;
	s1 =	sadd.s32 s1, s30  }
0xbb: {  	s0 =	sor.u32 s3, s0;
	s1 =	sshll.u32 s1, $0x11  }
0xbc: {  	s0 =	sor.u32 s1, s0  }
0xbd: {  	s0 =	sadd.s32 $0x8F2B, s0  }
0xbe: {  	[sflag:s0] =	ssyncadd.remote.s32 $0x1  }
0xbf: {  	_ =	sfence.sel $0xFFFF  }
0xc0: {  	[dreg:$0x0] =	wrdreg $0xFFFFFFFF;
	(pc) =	sbr.abs _section_cstart, $3  }
0xc1: {  	[dreg:$0x1] =	wrdreg $0xFFFFFFFF  }
0xc2: {  	_ =	task.clear_ibuf [dreg:s6], $0x2FFFF;
	_ =	strace $0x9FFFFFFF  }
0xc3: {  	(tm) =	ssettm $0x7FFFFFFF  }
tec
execute0_lowered:
.L_overlay_start_1:
0x0: {  	(tag) =	ssettag $0x1  }
0x1: {  	s0 =	rddreg [dreg:$0x0]  }
0x2: {  	s1 =	rddreg [dreg:$0x1]  }
0x3: {  	s2 =	rddreg [dreg:$0x2]  }
0x4: {  	s3 =	simm.s32 $0x0;
	s4 =	srdreg.scid;
	s13 =	stileid.u32  }
0x5: {  	s17 =	simm.s32 $0x60;
	s28 =	simm.s32 $0x3;
	s29 =	simm.s32 $0x2  }
0x6: {  	s30 =	simm.s32 $0xB400;
	s31 =	simm.s32 $0x4;
	[smem:$0x7FF] =	sst s3  }
0x7: {  	s4 =	sand.u32 $0x1, s4;
	s5 =	sadd.s32 $0x12A00, s0;
	s9 =	smul.u32 $0x2400, s13  }
0x8: {  	s7 =	sshll.u32 s13, $0x6;
	s10 =	sadd.s32 $0x492E00, s0;
	s18 =	sadd.s32 $0x492C00, s0  }
0x9: {  	s11 =	smul.u32 $0x6000, s13;
	_ =	strace $0x80000047;
	[dreg:$0x4] =	wrdreg s10  }
0xa: {  	s19 =	sadd.s32 $0x492A00, s0;
	s23 =	smul.u32 $0x24000, s13;
	[dreg:$0x5] =	wrdreg s18  }
0xb: {  	s6 =	smul.u32 $0x24000, s4;
	s8 =	sshll.u32 s4, $0xA;
	[dreg:$0x6] =	wrdreg s19  }
0xc: {  	s20 =	ssub.s32 $0x2, s4;
	s4 =	smul.u32 $0x240000, s4;
	s18 =	simm.s32 $0x80  }
0xd: {  	s19 =	simm.s32 $0x2400;
	s8 =	sor.u32 s7, s8;
	s12 =	sshrl.u32 s20, $0x1  }
0xe: {  	s22 =	sshrl.u32 s11, $0x2;
	s11 =	sor.u32 $0x1C05, s7;
	s8 =	smul.u32 $0xC, s8  }
0xf: {  	s6 =	sadd.s32 s9, s6;
	s9 =	ssub.s32 s20, s12;
	s12 =	sadd.s32 s7, s2  }
0x10: {  	s24 =	sadd.s32 s4, s5;
	s20 =	simm.s32 $0x8400;
	s4 =	simm.s32 $0x2280  }
0x11: {  	s7 =	simm.s32 $0x0;
	s21 =	sshll.u32 s6, $0x4;
	s6 =	sshrl.u32 s6, $0x3  }
0x12: {  	s26 =	smax.u32 s9, $0x1;
	s8 =	sadd.s32 s8, s0;
	s10 =	sadd.s32 s5, s21  }
0x13: {  	s0 =	sadd.s32 s0, s6;
	[dreg:$0xb] =	wrdreg s26;
	s26 =	simm.s32 $0x5400  }
0x14: {  	s5 =	simm.s32 $0x2300;
	[dreg:$0x7] =	wrdreg s10;
	s10 =	sadd.s32 $0x1000, s10  }
0x15: {  	s6 =	simm.s32 $0x2380;
	s0 =	sadd.s32 $0x9A00, s0;
	[dreg:$0x8] =	wrdreg s10  }
0x16: {  	s25 =	sadd.s32 $0x493200, s8;
	s10 =	sadd.s32 s22, s1;
	[dreg:$0x9] =	wrdreg s0  }
0x17: {  	[dreg:$0xa] =	wrdreg s25;
	s0 =	sadd.s32 s23, s24;
	s22 =	simm.s32 $0x5  }
0x18: {  	s23 =	sshrl.u32 s12, $0x3;
	s24 =	simm.s32 $0xE400;
	s25 =	simm.s32 $0x1  }
0x19: {  	s13 =	sadd.s32 $0x3000, s0;
	s21 =	sshrl.u32 s10, $0x3;
	s0 =	simm.s32 $0x2200  }
.LBB2_1:
0x1a: {  	s8 =	rddreg [dreg:$0x7]  }
0x1b: {  	s15 =	rddreg [dreg:$0x8]  }
0x1c: {  	[tilespmem:s19], [sflag:$0x1] =	stream.strided.gather [hbm4b:s8+s17], $0x6000, s18, s17, $0x38;
	[tilespmem:$0xFD10] =	vst v63  }
0x1d: {  	s16 =	rddreg [dreg:$0x4]  }
0x1e: {  	[tilespmem:s20], [sflag:$0x2] =	stream.strided.gather [hbm4b:s15+s17], $0x6000, s18, s17, $0x38;
	[tilespmem:$0xFD10] =	vst v63  }
0x1f: {  	[spmem:s21], [sflag:s11] =	dma.local [hbm:s16], $0x300  }
0x20: {  	_ =	swait.ge [sflag:s22], $0x300  }
0x21: {  	[sflag:s22] =	ssyncset.done $0x0  }
0x22: {  	s9 =	rddreg [dreg:$0x5];
	[sflag:s22] =	ssyncadd.s32 $0xFFFFFD00  }
0x23: {  	[spmem:s23], [sflag:s11] =	dma.local [hbm:s9], $0x8  }
0x24: {  	_ =	swait.ge [sflag:s22], $0x8  }
0x25: {  	[sflag:s22] =	ssyncset.done $0x0  }
0x26: {  	s14 =	rddreg [dreg:$0x9];
	[sflag:s22] =	ssyncadd.s32 $0xFFFFFFF8  }
0x27: {  	[tilespmem:s3], [sflag:$0x5] =	stream.linear.gather [hbm4b:s14+s3], $0x2400, $0x38;
	[tilespmem:$0xFD10] =	vst v63  }
0x28: {  	_ =	swait.ge [sflag:s22], $0x2400  }
0x29: {  	[sflag:s22] =	ssyncset.done $0x0  }
0x2a: {  	s15 =	rddreg [dreg:$0x6];
	[sflag:s22] =	ssyncadd.s32 $0xFFFFDC00  }
0x2b: {  	[tilespmem:s24], [sflag:$0x5] =	stream.linear.gather [hbm4b:s15+s3], $0x80, $0x38;
	[tilespmem:$0xFD10] =	vst v63  }
0x2c: {  	_ =	swait.ge [sflag:s22], $0x80  }
0x2d: {  	[sflag:s22] =	ssyncset.done $0x0  }
0x2e: {  	[sflag:s22] =	ssyncadd.s32 $0xFFFFFF80  }
0x2f: {  	[bflag:$0x0] =	sbarrier.arrive $0xFFFF  }
0x30: {  	_ =	swait.ge [sflag:s25], $0x6000  }
0x31: {  	[sflag:s25] =	ssyncset.done $0x0  }
0x32: {  	s16 =	simm.s32 $0x0;
	[sflag:s25] =	ssyncadd.s32 $0xFFFFA000  }
0x33: {  	[spmem:s1] =	stream.indirect.scatter.add.f32 [tilespmem:s19], [sflag:$0x3], $0x60, s16, s18, $0xb8;
	[tilespmem:$0xFD10] =	vst v63  }
0x34: {  	_ = 	snop  }
0x35: {  	[spmem:s2] =	stream.indirect.scatter.add.f32 [tilespmem:s24], [sflag:$0x3], $0x1, s16, s18, $0xb8;
	[tilespmem:$0xFD10] =	vst v63  }
0x36: {  	s9 =	simm.s32 $0x80  }
0x37: {  	[spmem:s1] =	stream.indirect.scatter.add.f32 [tilespmem:s26], [sflag:$0x3], $0x60, s9, s18, $0xb8;
	[tilespmem:$0xFD10] =	vst v63  }
0x38: {  	_ = 	snop  }
0x39: {  	[spmem:s2] =	stream.indirect.scatter.add.f32 [tilespmem:s24], [sflag:$0x3], $0x1, s9, s18, $0xb8;
	[tilespmem:$0xFD10] =	vst v63  }
0x3a: {  	_ =	swait.ge [sflag:s28], $0x3000  }
0x3b: {  	[sflag:s28] =	ssyncset.done $0x0  }
0x3c: {  	[sflag:s28] =	ssyncadd.s32 $0xFFFFD000  }
0x3d: {  	_ =	swait.ge [sflag:s28], $0x80  }
0x3e: {  	[sflag:s28] =	ssyncset.done $0x0  }
0x3f: {  	[sflag:s28] =	ssyncadd.s32 $0xFFFFFF80  }
0x40: {  	_ =	swait.ge [sflag:s28], $0x3000  }
0x41: {  	[sflag:s28] =	ssyncset.done $0x0  }
0x42: {  	[sflag:s28] =	ssyncadd.s32 $0xFFFFD000  }
0x43: {  	_ =	swait.ge [sflag:s28], $0x80  }
0x44: {  	[sflag:s28] =	ssyncset.done $0x0  }
0x45: {  	s14 =	sadd.s32 $0xFFFFF000, s13;
	[sflag:s28] =	ssyncadd.s32 $0xFFFFFF80  }
0x46: {  	[tilespmem:s19], [sflag:$0x1] =	stream.strided.gather [hbm4b:s14+s17], $0x6000, s18, s17, $0x38;
	[tilespmem:$0xFD10] =	vst v63  }
0x47: {  	_ =	swait.ge [sflag:s29], $0x6000  }
0x48: {  	[sflag:s29] =	ssyncset.done $0x0  }
0x49: {  	s15 =	simm.s32 $0x100;
	[sflag:s29] =	ssyncadd.s32 $0xFFFFA000  }
0x4a: {  	[spmem:s1] =	stream.indirect.scatter.add.f32 [tilespmem:s20], [sflag:$0x4], $0x60, s15, s18, $0xb8;
	[tilespmem:$0xFD10] =	vst v63  }
0x4b: {  	_ = 	snop  }
0x4c: {  	[spmem:s2] =	stream.indirect.scatter.add.f32 [tilespmem:s24], [sflag:$0x4], $0x1, s15, s18, $0xb8;
	[tilespmem:$0xFD10] =	vst v63  }
0x4d: {  	s16 =	simm.s32 $0x180  }
0x4e: {  	[spmem:s1] =	stream.indirect.scatter.add.f32 [tilespmem:s30], [sflag:$0x4], $0x60, s16, s18, $0xb8;
	[tilespmem:$0xFD10] =	vst v63  }
0x4f: {  	_ = 	snop  }
0x50: {  	[spmem:s2] =	stream.indirect.scatter.add.f32 [tilespmem:s24], [sflag:$0x4], $0x1, s16, s18, $0xb8;
	[tilespmem:$0xFD10] =	vst v63  }
0x51: {  	_ =	swait.ge [sflag:s31], $0x3000  }
0x52: {  	[sflag:s31] =	ssyncset.done $0x0  }
0x53: {  	[sflag:s31] =	ssyncadd.s32 $0xFFFFD000  }
0x54: {  	_ =	swait.ge [sflag:s31], $0x80  }
0x55: {  	[sflag:s31] =	ssyncset.done $0x0  }
0x56: {  	[sflag:s31] =	ssyncadd.s32 $0xFFFFFF80  }
0x57: {  	_ =	swait.ge [sflag:s31], $0x3000  }
0x58: {  	[sflag:s31] =	ssyncset.done $0x0  }
0x59: {  	[sflag:s31] =	ssyncadd.s32 $0xFFFFD000  }
0x5a: {  	_ =	swait.ge [sflag:s31], $0x80  }
0x5b: {  	s8 =	sadd.s32 $0x2000, s13;
	[sflag:s31] =	ssyncset.done $0x0  }
0x5c: {  	s9 =	simm.s32 $0x800;
	s16 =	smov.u32 s13;
	[sflag:s31] =	ssyncadd.s32 $0xFFFFFF80  }
.LBB2_2:
0x5d: {  	[tilespmem:s20], [sflag:$0x2] =	stream.strided.gather [hbm4b:s16+s17], $0x6000, s18, s17, $0x38;
	[tilespmem:$0xFD10] =	vst v63  }
0x5e: {  	s14 =	smov.u32 s9;
	s16 =	smov.u32 s8  }
0x5f: {  	p0 =	sne.s32 s9, $0x8000;
	s9 =	sadd.s32 $0x800, s9;
	_ =	swait.ge [sflag:s25], $0x6000  }
0x60: {  	[sflag:s25] =	ssyncset.done $0x0  }
0x61: {  	s14 =	sshra.s32 s14, $0x2;
	[sflag:s25] =	ssyncadd.s32 $0xFFFFA000  }
0x62: {  	[spmem:s1] =	stream.indirect.scatter.add.f32 [tilespmem:s19], [sflag:$0x3], $0x60, s14, s18, $0xb8;
	[tilespmem:$0xFD10] =	vst v63  }
0x63: {  	_ = 	snop  }
0x64: {  	[spmem:s2] =	stream.indirect.scatter.add.f32 [tilespmem:s24], [sflag:$0x3], $0x1, s14, s18, $0xb8;
	[tilespmem:$0xFD10] =	vst v63  }
0x65: {  	s15 =	sadd.s32 $0x80, s14  }
0x66: {  	[spmem:s1] =	stream.indirect.scatter.add.f32 [tilespmem:s26], [sflag:$0x3], $0x60, s15, s18, $0xb8;
	[tilespmem:$0xFD10] =	vst v63  }
0x67: {  	_ = 	snop  }
0x68: {  	[spmem:s2] =	stream.indirect.scatter.add.f32 [tilespmem:s24], [sflag:$0x3], $0x1, s15, s18, $0xb8;
	[tilespmem:$0xFD10] =	vst v63  }
0x69: {  	_ =	swait.ge [sflag:s28], $0x3000  }
0x6a: {  	[sflag:s28] =	ssyncset.done $0x0  }
0x6b: {  	[sflag:s28] =	ssyncadd.s32 $0xFFFFD000  }
0x6c: {  	_ =	swait.ge [sflag:s28], $0x80  }
0x6d: {  	[sflag:s28] =	ssyncset.done $0x0  }
0x6e: {  	[sflag:s28] =	ssyncadd.s32 $0xFFFFFF80  }
0x6f: {  	_ =	swait.ge [sflag:s28], $0x3000  }
0x70: {  	[sflag:s28] =	ssyncset.done $0x0  }
0x71: {  	[sflag:s28] =	ssyncadd.s32 $0xFFFFD000  }
0x72: {  	_ =	swait.ge [sflag:s28], $0x80  }
0x73: {  	[sflag:s28] =	ssyncset.done $0x0  }
0x74: {  	s15 =	sadd.s32 $0xFFFFF000, s8;
	[sflag:s28] =	ssyncadd.s32 $0xFFFFFF80  }
0x75: {  	[tilespmem:s19], [sflag:$0x1] =	stream.strided.gather [hbm4b:s15+s17], $0x6000, s18, s17, $0x38;
	[tilespmem:$0xFD10] =	vst v63  }
0x76: {  	_ =	swait.ge [sflag:s29], $0x6000  }
0x77: {  	[sflag:s29] =	ssyncset.done $0x0  }
0x78: {  	s15 =	sadd.s32 $0x100, s14;
	[sflag:s29] =	ssyncadd.s32 $0xFFFFA000  }
0x79: {  	[spmem:s1] =	stream.indirect.scatter.add.f32 [tilespmem:s20], [sflag:$0x4], $0x60, s15, s18, $0xb8;
	[tilespmem:$0xFD10] =	vst v63  }
0x7a: {  	_ = 	snop  }
0x7b: {  	[spmem:s2] =	stream.indirect.scatter.add.f32 [tilespmem:s24], [sflag:$0x4], $0x1, s15, s18, $0xb8;
	[tilespmem:$0xFD10] =	vst v63  }
0x7c: {  	s14 =	sadd.s32 $0x180, s14  }
0x7d: {  	[spmem:s1] =	stream.indirect.scatter.add.f32 [tilespmem:s30], [sflag:$0x4], $0x60, s14, s18, $0xb8;
	[tilespmem:$0xFD10] =	vst v63  }
0x7e: {  	_ = 	snop  }
0x7f: {  	[spmem:s2] =	stream.indirect.scatter.add.f32 [tilespmem:s24], [sflag:$0x4], $0x1, s14, s18, $0xb8;
	[tilespmem:$0xFD10] =	vst v63  }
0x80: {  	_ =	swait.ge [sflag:s31], $0x3000  }
0x81: {  	[sflag:s31] =	ssyncset.done $0x0  }
0x82: {  	[sflag:s31] =	ssyncadd.s32 $0xFFFFD000  }
0x83: {  	_ =	swait.ge [sflag:s31], $0x80  }
0x84: {  	[sflag:s31] =	ssyncset.done $0x0  }
0x85: {  	[sflag:s31] =	ssyncadd.s32 $0xFFFFFF80  }
0x86: {  	_ =	swait.ge [sflag:s31], $0x3000  }
.Ltmp0:
0x87: {  	[sflag:s31] =	ssyncset.done $0x0;
	(pc) =	sbr.rel @p0 .LBB2_2-.Ltmp0, $4  }
0x88: {  	[sflag:s31] =	ssyncadd.s32 $0xFFFFD000  }
0x89: {  	_ =	swait.ge [sflag:s31], $0x80  }
0x8a: {  	[sflag:s31] =	ssyncset.done $0x0  }
0x8b: {  	s8 =	sadd.s32 $0x2000, s8;
	[sflag:s31] =	ssyncadd.s32 $0xFFFFFF80  }
0x8c: {  	[tilespmem:s20], [sflag:$0x2] =	stream.strided.gather [hbm4b:s16+s17], $0x6000, s18, s17, $0x38;
	[tilespmem:$0xFD10] =	vst v63  }
0x8d: {  	_ =	swait.ge [sflag:s25], $0x6000  }
0x8e: {  	[sflag:s25] =	ssyncset.done $0x0  }
0x8f: {  	[sflag:s25] =	ssyncadd.s32 $0xFFFFA000  }
0x90: {  	[spmem:s1] =	stream.indirect.scatter.add.f32 [tilespmem:s19], [sflag:$0x3], $0x60, s0, s18, $0xb8;
	[tilespmem:$0xFD10] =	vst v63  }
0x91: {  	_ = 	snop  }
0x92: {  	[spmem:s2] =	stream.indirect.scatter.add.f32 [tilespmem:s24], [sflag:$0x3], $0x1, s0, s18, $0xb8;
	[tilespmem:$0xFD10] =	vst v63  }
0x93: {  	_ = 	snop  }
0x94: {  	[spmem:s1] =	stream.indirect.scatter.add.f32 [tilespmem:s26], [sflag:$0x3], $0x60, s4, s18, $0xb8;
	[tilespmem:$0xFD10] =	vst v63  }
0x95: {  	_ = 	snop  }
0x96: {  	[spmem:s2] =	stream.indirect.scatter.add.f32 [tilespmem:s24], [sflag:$0x3], $0x1, s4, s18, $0xb8;
	[tilespmem:$0xFD10] =	vst v63  }
0x97: {  	_ =	swait.ge [sflag:s28], $0x3000  }
0x98: {  	[sflag:s28] =	ssyncset.done $0x0  }
0x99: {  	[sflag:s28] =	ssyncadd.s32 $0xFFFFD000  }
0x9a: {  	_ =	swait.ge [sflag:s28], $0x80  }
0x9b: {  	[sflag:s28] =	ssyncset.done $0x0  }
0x9c: {  	[sflag:s28] =	ssyncadd.s32 $0xFFFFFF80  }
0x9d: {  	_ =	swait.ge [sflag:s28], $0x3000  }
0x9e: {  	[sflag:s28] =	ssyncset.done $0x0  }
0x9f: {  	[sflag:s28] =	ssyncadd.s32 $0xFFFFD000  }
0xa0: {  	_ =	swait.ge [sflag:s28], $0x80  }
0xa1: {  	[sflag:s28] =	ssyncset.done $0x0  }
0xa2: {  	[sflag:s28] =	ssyncadd.s32 $0xFFFFFF80  }
0xa3: {  	_ =	swait.ge [sflag:s29], $0x6000  }
0xa4: {  	[sflag:s29] =	ssyncset.done $0x0  }
0xa5: {  	[sflag:s29] =	ssyncadd.s32 $0xFFFFA000  }
0xa6: {  	[spmem:s1] =	stream.indirect.scatter.add.f32 [tilespmem:s20], [sflag:$0x4], $0x60, s5, s18, $0xb8;
	[tilespmem:$0xFD10] =	vst v63  }
0xa7: {  	_ = 	snop  }
0xa8: {  	[spmem:s2] =	stream.indirect.scatter.add.f32 [tilespmem:s24], [sflag:$0x4], $0x1, s5, s18, $0xb8;
	[tilespmem:$0xFD10] =	vst v63  }
0xa9: {  	_ = 	snop  }
0xaa: {  	[spmem:s1] =	stream.indirect.scatter.add.f32 [tilespmem:s30], [sflag:$0x4], $0x60, s6, s18, $0xb8;
	[tilespmem:$0xFD10] =	vst v63  }
0xab: {  	_ = 	snop  }
0xac: {  	[spmem:s2] =	stream.indirect.scatter.add.f32 [tilespmem:s24], [sflag:$0x4], $0x1, s6, s18, $0xb8;
	[tilespmem:$0xFD10] =	vst v63  }
0xad: {  	_ =	swait.ge [sflag:s31], $0x3000  }
0xae: {  	[sflag:s31] =	ssyncset.done $0x0  }
0xaf: {  	[sflag:s31] =	ssyncadd.s32 $0xFFFFD000  }
0xb0: {  	_ =	swait.ge [sflag:s31], $0x80  }
0xb1: {  	[sflag:s31] =	ssyncset.done $0x0  }
0xb2: {  	[sflag:s31] =	ssyncadd.s32 $0xFFFFFF80  }
0xb3: {  	_ =	swait.ge [sflag:s31], $0x3000  }
0xb4: {  	[sflag:s31] =	ssyncset.done $0x0  }
0xb5: {  	[sflag:s31] =	ssyncadd.s32 $0xFFFFD000  }
0xb6: {  	_ =	swait.ge [sflag:s31], $0x80  }
0xb7: {  	[sflag:s31] =	ssyncset.done $0x0  }
0xb8: {  	[sflag:s31] =	ssyncadd.s32 $0xFFFFFF80  }
0xb9: {  	s8 =	simm.s32 $0xE480;
	[bflag:$0x0] =	sbarrier.arrive $0xFFFF  }
0xba: {  	[tilespmem:s8], [sflag:$0x5] =	stream.linear.gather [spmem:s12], $0x40, $0x38;
	[tilespmem:$0xFD10] =	vst v63  }
0xbb: {  	_ =	swait.ge [sflag:s22], $0x40  }
0xbc: {  	[sflag:s22] =	ssyncset.done $0x0  }
0xbd: {  	[sflag:s22] =	ssyncadd.s32 $0xFFFFFFC0  }
0xbe: {  	[tilespmem:s19], [sflag:$0x5] =	stream.linear.gather [spmem:s10], $0x1800, $0x38;
	[tilespmem:$0xFD10] =	vst v63  }
0xbf: {  	_ =	swait.ge [sflag:s22], $0x1800  }
0xc0: {  	[sflag:s22] =	ssyncset.done $0x0  }
0xc1: {  	[sflag:s22] =	ssyncadd.s32 $0xFFFFE800  }
0xc2: {  	v0 =	vld [tilespmem:$0xE480]  }
0xc3: {  	v1 =	vld [tilespmem:$0xE490]  }
0xc4: {  	v2 =	vld [tilespmem:$0xE4A0]  }
0xc5: {  	v3 =	vld [tilespmem:$0xE4B0];
	_ =	sdelay $0x1  }
0xc6: {  	(erf) = vrcp.f32 v0  }
0xc7: {  	(erf) = vrcp.f32 v1  }
0xc8: {  	(erf) = vrcp.f32 v2  }
0xc9: {  	(erf) = vrcp.f32 v3;
	_ =	sdelay $0x5  }
0xca: {  	v0 =	vpop (erf)  }
0xcb: {  	v1 =	vpop (erf);
	[tilespmem:$0xE480] =	vst v0  }
0xcc: {  	v0 =	vpop (erf);
	[tilespmem:$0xE490] =	vst v1  }
0xcd: {  	[tilespmem:$0xE4A0] =	vst v0;
	v0 =	vpop (erf)  }
0xce: {  	s8 =	simm.s32 $0x2430;
	[tilespmem:$0xE4B0] =	vst v0  }
0xcf: {  	s9 =	simm.s32 $0x0;
	v4 =	vld [tilespmem:s8+$0x20]  }
0xd0: {  	v0 =	vld.msk [tilespmem:s9+$0xE480 ss:$0x0], $0xffff  }
0xd1: {  	v2 =	vld [tilespmem:s8+$0xFFFFFFF0]  }
0xd2: {  	v3 =	vld [tilespmem:s8+$0xFFFFFFD0]  }
0xd3: {  	v5 =	vld [tilespmem:s8+$0x0]  }
0xd4: {  	v1 =	vld [tilespmem:s8+$0x10]  }
0xd5: {  	v6 =	vmul.f32 v4, v0;
	v4 =	vld [tilespmem:s8+$0xFFFFFFE0];
	_ =	sdelay $0x1  }
0xd6: {  	v3 =	vmul.f32 v0, v3  }
0xd7: {  	s16 =	simm.s32 $0x2430;
	s9 =	simm.s32 $0x4;
	v2 =	vmul.f32 v2, v0;
	v5 =	vmul.f32 v5, v0  }
.LBB2_4:
0xd8: {  	p0 =	sne.s32 s9, $0xFC  }
0xd9: {  	v4 =	vmul.f32 v4, v0;
	v0 =	vmul.f32 v1, v0;
	[tilespmem:s8+$0x20] =	vst v6;
	s16 =	sadd.s32 $0x60, s16;
	s14 =	smov.u32 s9;
	s9 =	sadd.s32 $0x4, s9  }
0xda: {  	[tilespmem:s8+$0xFFFFFFD0] =	vst v3  }
0xdb: {  	[tilespmem:s8+$0x0] =	vst v5  }
0xdc: {  	v5 =	vld [tilespmem:s16+$0xFFFFFFF0];
	[tilespmem:s8+$0xFFFFFFF0] =	vst v2  }
0xdd: {  	v2 =	vld [tilespmem:s16+$0x20];
	[tilespmem:s8+$0x10] =	vst v0  }
0xde: {  	s14 =	sshra.s32 s14, $0x2;
	v7 =	vld [tilespmem:s16+$0x0];
	[tilespmem:s8+$0xFFFFFFE0] =	vst v4;
	s8 =	smov.u32 s16  }
0xdf: {  	v0 =	vld.msk [tilespmem:s14+$0xE480 ss:$0x0], $0xffff  }
0xe0: {  	v3 =	vld [tilespmem:s16+$0xFFFFFFD0]  }
0xe1: {  	v1 =	vld [tilespmem:s16+$0x10]  }
.Ltmp1:
0xe2: {  	v4 =	vld [tilespmem:s16+$0xFFFFFFE0];
	(pc) =	sbr.rel @p0 .LBB2_4-.Ltmp1, $3  }
0xe3: {  	_ =	sdelay $0x1  }
0xe4: {  	v6 =	vmul.f32 v2, v0;
	v3 =	vmul.f32 v0, v3  }
0xe5: {  	v2 =	vmul.f32 v5, v0;
	v5 =	vmul.f32 v7, v0  }
0xe6: {  	[tilespmem:s8+$0x20] =	vst v6  }
0xe7: {  	[tilespmem:s8+$0xFFFFFFD0] =	vst v3  }
0xe8: {  	v1 =	vmul.f32 v1, v0;
	[tilespmem:s8+$0x0] =	vst v5  }
0xe9: {  	v63 =	vmul.f32 v4, v0;
	[tilespmem:s8+$0xFFFFFFF0] =	vst v2  }
0xea: {  	[tilespmem:s8+$0x10] =	vst v1  }
0xeb: {  	s15 =	rddreg [dreg:$0xa];
	[tilespmem:s8+$0xFFFFFFE0] =	vst v63  }
0xec: {  	[hbm4b:s15+s3] =	stream.linear.scatter [tilespmem:s19], [sflag:$0x5], $0x1800, $0x38;
	[tilespmem:$0xFD10] =	vst v63  }
0xed: {  	_ =	swait.ge [sflag:s22], $0x1800  }
0xee: {  	s7 =	sadd.s32 $0x1, s7;
	s16 =	rddreg [dreg:$0xb]  }
0xef: {  	p0 =	sne.s32 s7, s16  }
.Ltmp2:
0xf0: {  	_ = 	snop;
	(pc) =	sbr.rel @p0 .LBB2_1-.Ltmp2, $3  }
0xf1: {  	_ =	sdelay $0x1  }
0xf2: {  	[sflag:s22] =	ssyncset.done $0x0  }
0xf3: {  	[sflag:s22] =	ssyncadd.s32 $0xFFFFE800  }
0xf4: {  	_ =	sfence.sel $0x180000  }
0xf5: {  	[bflag:$0x0] =	sbarrier.arrive $0xFFFF  }
0xf6: {  	_ =	strace $0x90000047  }
0xf7: {  	s0 =	stileid.u32;
	[bflag:$0x2] =	sbarrier.arrive $0xFFFF  }
0xf8: {  	p0 =	sne.s32 s0, $0x0;
	s0 =	rddreg [dreg:$0x3]  }
0xf9: {  	s0 =	sadd.s32 @!p0 $0x100000, s0  }
0xfa: {  	[sflag:s0] =	ssyncadd.tile.s32 @!p0 $0x1;
	_ =	shalt  }
.Lfunc_end2:
_tile_overlayer_lowered:
.L_overlay_start_2:
0xfb: {  	(tag) =	ssettag $0x2  }
0xfc: {  	s0 =	rddreg [dreg:$0x0];
	s2 =	stileid.u32  }
0xfd: {  	s1 =	rddreg [dreg:$0x1];
	p0 =	sne.s32 s2, $0x0  }
0xfe: {  	s3 =	rddreg [dreg:$0x2];
	[bflag:$0x3] =	sbarrier.arrive $0xFFFF;
	s2 =	simm.s32 @!p0 $0x1C05  }
0xff: {  	[timem:s3], [sflag:s2] =	dma.local @!p0 [hbm:s0], s1  }
0x100: {  	s0 =	simm.s32 @!p0 $0x5  }
0x101: {  	_ =	swait.ge @!p0 [sflag:s0], s1  }
0x102: {  	s1 =	ssub.s32 @!p0 $0x0, s1;
	[sflag:s0] =	ssyncset.done @!p0 $0x0  }
0x103: {  	[sflag:s0] =	ssyncadd.s32 @!p0 s1  }
0x104: {  	[bflag:$0x3] =	sbarrier.arrive $0xFFFF  }
0x105: {  	_ =	shalt  }

</sc_bundles>
